<compile_context>
chip_gen: v7x
topology: tpu7x:2x2x1
jax: 0.10.2.dev20260603
libtpu: 0.0.44.dev20260713+nightly
codegen_flags: <defaults>
</compile_context>

<pallas_src>
import functools

import jax
import jax.numpy as jnp
from jax import lax
from jax.experimental import pallas as pl
from jax.experimental.pallas import tpu as pltpu
from jax.experimental.pallas import tpu_sc as plsc

EMBED = 2048
NE = 16
NTOK = 16384
ACTIVE = 2

NC, NS, L = 2, 16, 16
NW = NC * NS
TPW = NTOK // NW

ROW_BLK = 1024


def _score_body(x_ref, wt_ref, o_ref):
    o_ref[...] = lax.dot_general(wt_ref[...], x_ref[...],
                                 (((1,), (1,)), ((), ())),
                                 preferred_element_type=jnp.float32)


def _scores_tc(x, Wt):
    rows = x.shape[0]
    return pl.pallas_call(
        _score_body,
        grid=(rows // ROW_BLK,),
        in_specs=[
            pl.BlockSpec((ROW_BLK, EMBED), lambda i: (i, 0)),
            pl.BlockSpec((NE, EMBED), lambda i: (0, 0)),
        ],
        out_specs=pl.BlockSpec((NE, ROW_BLK), lambda i: (0, i)),
        out_shape=jax.ShapeDtypeStruct((NE, rows), jnp.float32),
    )(x, Wt)


def _route_body(tpw, scores_hbm, b_hbm, rw_hbm, mk_hbm, s_v, b_v, rw_v, mk_v):
    wid = lax.axis_index("s") * NC + lax.axis_index("c")
    base = wid * tpw
    pltpu.sync_copy(scores_hbm.at[:, pl.ds(base, tpw)], s_v)
    pltpu.sync_copy(b_hbm, b_v)
    b_vec = b_v[...]

    zeros = jnp.zeros((L,), jnp.float32)
    ones = jnp.ones((L,), jnp.float32)

    def group(g, carry):
        t0 = g * L
        toks = t0 + lax.iota(jnp.int32, L)
        m1 = jnp.full((L,), -jnp.inf, jnp.float32)
        m2 = jnp.full((L,), -jnp.inf, jnp.float32)
        i1 = jnp.zeros((L,), jnp.int32)
        i2 = jnp.zeros((L,), jnp.int32)
        for e in range(NE):
            v = jnp.maximum(s_v[e, pl.ds(t0, L)] + b_vec[e], 0.0)
            gt1 = v > m1
            gt2 = jnp.logical_and(jnp.logical_not(gt1), v > m2)
            i2 = jnp.where(gt1, i1, jnp.where(gt2, e, i2))
            m2 = jnp.where(gt1, m1, jnp.where(gt2, v, m2))
            i1 = jnp.where(gt1, e, i1)
            m1 = jnp.where(gt1, v, m1)
        t = jnp.exp(m2 - m1)
        den = 1.0 + t
        w1 = 1.0 / den
        w2 = t / den
        for e in range(NE):
            rw_v[e, pl.ds(t0, L)] = zeros
            mk_v[e, pl.ds(t0, L)] = zeros
        plsc.store_scatter(mk_v, [i1, toks], ones)
        plsc.store_scatter(mk_v, [i2, toks], ones)
        plsc.store_scatter(rw_v, [i1, toks], w1)
        plsc.store_scatter(rw_v, [i2, toks], w2)
        return carry

    lax.fori_loop(0, tpw // L, group, 0)
    pltpu.sync_copy(rw_v, rw_hbm.at[:, pl.ds(base, tpw)])
    pltpu.sync_copy(mk_v, mk_hbm.at[:, pl.ds(base, tpw)])


@functools.lru_cache(maxsize=4)
def _build_route_sc(ntok):
    tpw = ntok // NW
    return pl.kernel(
        functools.partial(_route_body, tpw),
        out_type=(
            jax.ShapeDtypeStruct((NE, ntok), jnp.float32),
            jax.ShapeDtypeStruct((NE, ntok), jnp.float32),
        ),
        mesh=plsc.VectorSubcoreMesh(core_axis_name="c", subcore_axis_name="s"),
        scratch_types=[
            pltpu.VMEM((NE, tpw), jnp.float32),
            pltpu.VMEM((NE,), jnp.float32),
            pltpu.VMEM((NE, tpw), jnp.float32),
            pltpu.VMEM((NE, tpw), jnp.float32),
        ],
        compiler_params=pltpu.CompilerParams(needs_layout_passes=False),
    )


def kernel(x, W, b):
    scores_t = _scores_tc(x, W.T)
    rw_t, mk_t = _build_route_sc(NTOK)(scores_t, b)
    return rw_t.T, mk_t.T

# --- scband reference (transcript-rebuilt; emitter-appended) ---
"""Pipeline reference for scband-top-krouter-22316650070633 (READ-ONLY COPY).

The authoritative reference and input builder live on the scoring server;
editing this copy changes nothing except your own understanding.
"""

import jax, jax.numpy as jnp
import numpy as np

EMBED_DIM = 2048
NUM_EXPERTS = 16
ACTIVE_EXPERTS = 2
N_TOKENS = 16384

def setup_inputs(seed: int = 0) -> dict:
    key = jax.random.key(seed)
    kx, kw, kb = jax.random.split(key, 3)
    x = jax.random.normal(kx, (N_TOKENS, EMBED_DIM), dtype=jnp.float32)
    W = jax.random.normal(kw, (EMBED_DIM, NUM_EXPERTS), dtype=jnp.float32) * (1.0 / np.sqrt(EMBED_DIM))
    b = jax.random.normal(kb, (NUM_EXPERTS,), dtype=jnp.float32) * 0.01
    return {"x": x, "W": W, "b": b}

def reference(x, W, b):
    # Linear + ReLU router
    scores = jax.nn.relu(x @ W + b)  # [N, E]
    # Top-k selection over experts
    top_k_values, top_k_indices = jax.lax.top_k(scores, ACTIVE_EXPERTS)  # [N, k]
    # Build 0/1 mask via scatter-overwrite along last dim
    n = scores.shape[0]
    row_idx = jnp.arange(n)[:, None]
    mask = jnp.zeros_like(scores).at[row_idx, top_k_indices].set(1.0)
    # Mask out non-selected experts with -inf, then softmax
    masked_scores = jnp.where(mask == 0, -jnp.inf, scores)
    router_weight = jax.nn.softmax(masked_scores, axis=-1)
    return (router_weight, mask)

if __name__ == "__main__":
    import jax
    _d = setup_inputs()
    print(jax.jit(kernel)(*tuple(_d.values())))

</pallas_src>

<mosaic_0001>
#map = affine_map<(d0, d1) -> (0, 0)>
#map1 = affine_map<(d0, d1) -> (0)>
module attributes {stable_mosaic.version = 14 : i64} {
  func.func @_route_body(%arg0: i32, %arg1: i32, %arg2: memref<16x16384xf32, #tpu.memory_space<hbm>>, %arg3: memref<16xf32, #tpu.memory_space<hbm>>, %arg4: memref<16x16384xf32, #tpu.memory_space<hbm>>, %arg5: memref<16x16384xf32, #tpu.memory_space<hbm>>, %arg6: memref<16x512xf32, #tpu.memory_space<vmem>>, %arg7: memref<16xf32, #tpu.memory_space<vmem>>, %arg8: memref<16x512xf32, #tpu.memory_space<vmem>>, %arg9: memref<16x512xf32, #tpu.memory_space<vmem>>) attributes {dimension_semantics = [#tpu.dimension_semantics<core_parallel>, #tpu.dimension_semantics<subcore_parallel>], iteration_bounds = array<i64: 2, 16>, scalar_prefetch = 0 : i64, scratch_operands = 4 : i64, tpu.core_type = #tpu.core_type<sc_vector_subcore>, window_params = [{transform_indices = #map}, {transform_indices = #map1}, {transform_indices = #map}, {transform_indices = #map}]} {
    %mul3A = arith.constant 2 : i32
    %mul3A_0 = arith.muli %arg1, %mul3A : i32
    %add3A = arith.addi %mul3A_0, %arg0 : i32
    %mul3A_1 = arith.constant 512 : i32
    %mul3A_2 = arith.muli %add3A, %mul3A_1 : i32
    "tpu.region"() ({
      %run_scoped3A = tpu.sem_alloc : memref<!tpu.dma_semaphore, #tpu.memory_space<semaphore_mem>>
      %dma_start3A = arith.constant 0 : i32
      %dma_start3A_12 = tpu.memref_slice %arg2[%dma_start3A, %mul3A_2] : memref<16x16384xf32, #tpu.memory_space<hbm>> -> memref<16x512xf32, #tpu.memory_space<hbm>>
      %dma_start3A_13 = arith.constant 0 : i32
      %dma_start3A_14 = tpu.memref_slice %arg2[%dma_start3A_13, %mul3A_2] : memref<16x16384xf32, #tpu.memory_space<hbm>> -> memref<16x512xf32, #tpu.memory_space<hbm>>
      tpu.enqueue_dma source(%dma_start3A_14 : memref<16x512xf32, #tpu.memory_space<hbm>>) target(%arg6 : memref<16x512xf32, #tpu.memory_space<vmem>>) target_semaphore(%run_scoped3A : memref<!tpu.dma_semaphore, #tpu.memory_space<semaphore_mem>>)
      %dma_wait3A = arith.constant 0 : i32
      %dma_wait3A_15 = tpu.memref_slice %arg2[%dma_wait3A, %mul3A_2] : memref<16x16384xf32, #tpu.memory_space<hbm>> -> memref<16x512xf32, #tpu.memory_space<hbm>>
      %dma_wait3A_16 = arith.constant 0 : i32
      %dma_wait3A_17 = tpu.memref_slice %arg2[%dma_wait3A_16, %mul3A_2] : memref<16x16384xf32, #tpu.memory_space<hbm>> -> memref<16x512xf32, #tpu.memory_space<hbm>>
      tpu.wait_dma2 semaphore(%run_scoped3A : memref<!tpu.dma_semaphore, #tpu.memory_space<semaphore_mem>>) src(%dma_wait3A_17 : memref<16x512xf32, #tpu.memory_space<hbm>>) dst(%arg6 : memref<16x512xf32, #tpu.memory_space<vmem>>)
      tpu.yield
    }) : () -> ()
    "tpu.region"() ({
      %run_scoped3A = tpu.sem_alloc : memref<!tpu.dma_semaphore, #tpu.memory_space<semaphore_mem>>
      tpu.enqueue_dma source(%arg3 : memref<16xf32, #tpu.memory_space<hbm>>) target(%arg7 : memref<16xf32, #tpu.memory_space<vmem>>) target_semaphore(%run_scoped3A : memref<!tpu.dma_semaphore, #tpu.memory_space<semaphore_mem>>)
      tpu.wait_dma2 semaphore(%run_scoped3A : memref<!tpu.dma_semaphore, #tpu.memory_space<semaphore_mem>>) src(%arg3 : memref<16xf32, #tpu.memory_space<hbm>>) dst(%arg7 : memref<16xf32, #tpu.memory_space<vmem>>)
      tpu.yield
    }) : () -> ()
    %get3A = arith.constant 0 : index
    %get3A_3 = tpu.vector_load %arg7[%get3A] {strides = array<i32>} : memref<16xf32, #tpu.memory_space<vmem>>, vector<16xf32>,
    %broadcast_in_dim3A = arith.constant 0.000000e+00 : f32
    %broadcast_in_dim3A_4 = vector.broadcast %broadcast_in_dim3A : f32 to vector<16xf32>
    %broadcast_in_dim3A_5 = arith.constant 1.000000e+00 : f32
    %broadcast_in_dim3A_6 = vector.broadcast %broadcast_in_dim3A_5 : f32 to vector<16xf32>
    %scan3A = arith.constant 0 : i32
    %scan3A_7 = arith.constant 0 : i32
    %scan3A_8 = arith.constant 32 : i32
    %scan3A_9 = arith.addi %scan3A_7, %scan3A_8 : i32
    %scan3A_10 = arith.constant 1 : i32
    scf.for %scan3A_12 = %scan3A_7 to %scan3A_9 step %scan3A_10  : i32 {
      %mul3A_13 = arith.constant 16 : i32
      %mul3A_14 = arith.muli %scan3A_12, %mul3A_13 : i32
      %iota3A = tpu.iota {dimensions = array<i32: 0>} : vector<16xi32>
      %add3A_15 = vector.broadcast %mul3A_14 : i32 to vector<16xi32>
      %add3A_16 = arith.addi %add3A_15, %iota3A : vector<16xi32>
      %broadcast_in_dim3A_17 = arith.constant 0xFF800000 : f32
      %broadcast_in_dim3A_18 = vector.broadcast %broadcast_in_dim3A_17 : f32 to vector<16xf32>
      %broadcast_in_dim3A_19 = arith.constant 0xFF800000 : f32
      %broadcast_in_dim3A_20 = vector.broadcast %broadcast_in_dim3A_19 : f32 to vector<16xf32>
      %broadcast_in_dim3A_21 = arith.constant 0 : i32
      %broadcast_in_dim3A_22 = vector.broadcast %broadcast_in_dim3A_21 : i32 to vector<16xi32>
      %broadcast_in_dim3A_23 = arith.constant 0 : i32
      %broadcast_in_dim3A_24 = vector.broadcast %broadcast_in_dim3A_23 : i32 to vector<16xi32>
      %get3A_25 = arith.constant 0 : i32
      %get3A_26 = arith.index_cast %get3A_25 : i32 to index
      %get3A_27 = arith.index_cast %mul3A_14 : i32 to index
      %get3A_28 = tpu.vector_load %arg6[%get3A_26, %get3A_27] {strides = array<i32>} : memref<16x512xf32, #tpu.memory_space<vmem>>, vector<16xf32>,
      %slice3A = vector.extract_strided_slice %get3A_3 {offsets = [0], sizes = [1], strides = [1]} : vector<16xf32> to vector<1xf32>
      %squeeze3A = vector.extract %slice3A[0] : f32 from vector<1xf32>
      %add3A_29 = vector.broadcast %squeeze3A : f32 to vector<16xf32>
      %add3A_30 = arith.addf %get3A_28, %add3A_29 : vector<16xf32>
      %max3A = arith.constant 0.000000e+00 : f32
      %max3A_31 = vector.broadcast %max3A : f32 to vector<16xf32>
      %max3A_32 = arith.maximumf %add3A_30, %max3A_31 : vector<16xf32>
      %gt3A = arith.cmpf ogt, %max3A_32, %broadcast_in_dim3A_18 : vector<16xf32>
      %not3A = arith.constant dense<true> : vector<16xi1>
      %not3A_33 = arith.xori %gt3A, %not3A : vector<16xi1>
      %gt3A_34 = arith.cmpf ogt, %max3A_32, %broadcast_in_dim3A_20 : vector<16xf32>
      %and3A = arith.andi %not3A_33, %gt3A_34 : vector<16xi1>
      %jit3A = arith.constant 0 : i32
      %broadcast_in_dim3A_35 = vector.broadcast %jit3A : i32 to vector<16xi32>
      %select_n3A = arith.select %and3A, %broadcast_in_dim3A_35, %broadcast_in_dim3A_24 : vector<16xi1>, vector<16xi32>
      %select_n3A_36 = arith.select %gt3A, %broadcast_in_dim3A_22, %select_n3A : vector<16xi1>, vector<16xi32>
      %select_n3A_37 = arith.select %and3A, %max3A_32, %broadcast_in_dim3A_20 : vector<16xi1>, vector<16xf32>
      %select_n3A_38 = arith.select %gt3A, %broadcast_in_dim3A_18, %select_n3A_37 : vector<16xi1>, vector<16xf32>
      %jit3A_39 = arith.constant 0 : i32
      %broadcast_in_dim3A_40 = vector.broadcast %jit3A_39 : i32 to vector<16xi32>
      %select_n3A_41 = arith.select %gt3A, %broadcast_in_dim3A_40, %broadcast_in_dim3A_22 : vector<16xi1>, vector<16xi32>
      %select_n3A_42 = arith.select %gt3A, %max3A_32, %broadcast_in_dim3A_18 : vector<16xi1>, vector<16xf32>
      %get3A_43 = arith.constant 1 : i32
      %get3A_44 = arith.index_cast %get3A_43 : i32 to index
      %get3A_45 = arith.index_cast %mul3A_14 : i32 to index
      %get3A_46 = tpu.vector_load %arg6[%get3A_44, %get3A_45] {strides = array<i32>} : memref<16x512xf32, #tpu.memory_space<vmem>>, vector<16xf32>,
      %slice3A_47 = vector.extract_strided_slice %get3A_3 {offsets = [1], sizes = [1], strides = [1]} : vector<16xf32> to vector<1xf32>
      %squeeze3A_48 = vector.extract %slice3A_47[0] : f32 from vector<1xf32>
      %add3A_49 = vector.broadcast %squeeze3A_48 : f32 to vector<16xf32>
      %add3A_50 = arith.addf %get3A_46, %add3A_49 : vector<16xf32>
      %max3A_51 = arith.constant 0.000000e+00 : f32
      %max3A_52 = vector.broadcast %max3A_51 : f32 to vector<16xf32>
      %max3A_53 = arith.maximumf %add3A_50, %max3A_52 : vector<16xf32>
      %gt3A_54 = arith.cmpf ogt, %max3A_53, %select_n3A_42 : vector<16xf32>
      %not3A_55 = arith.constant dense<true> : vector<16xi1>
      %not3A_56 = arith.xori %gt3A_54, %not3A_55 : vector<16xi1>
      %gt3A_57 = arith.cmpf ogt, %max3A_53, %select_n3A_38 : vector<16xf32>
      %and3A_58 = arith.andi %not3A_56, %gt3A_57 : vector<16xi1>
      %jit3A_59 = arith.constant 1 : i32
      %broadcast_in_dim3A_60 = vector.broadcast %jit3A_59 : i32 to vector<16xi32>
      %select_n3A_61 = arith.select %and3A_58, %broadcast_in_dim3A_60, %select_n3A_36 : vector<16xi1>, vector<16xi32>
      %select_n3A_62 = arith.select %gt3A_54, %select_n3A_41, %select_n3A_61 : vector<16xi1>, vector<16xi32>
      %select_n3A_63 = arith.select %and3A_58, %max3A_53, %select_n3A_38 : vector<16xi1>, vector<16xf32>
      %select_n3A_64 = arith.select %gt3A_54, %select_n3A_42, %select_n3A_63 : vector<16xi1>, vector<16xf32>
      %jit3A_65 = arith.constant 1 : i32
      %broadcast_in_dim3A_66 = vector.broadcast %jit3A_65 : i32 to vector<16xi32>
      %select_n3A_67 = arith.select %gt3A_54, %broadcast_in_dim3A_66, %select_n3A_41 : vector<16xi1>, vector<16xi32>
      %select_n3A_68 = arith.select %gt3A_54, %max3A_53, %select_n3A_42 : vector<16xi1>, vector<16xf32>
      %get3A_69 = arith.constant 2 : i32
      %get3A_70 = arith.index_cast %get3A_69 : i32 to index
      %get3A_71 = arith.index_cast %mul3A_14 : i32 to index
      %get3A_72 = tpu.vector_load %arg6[%get3A_70, %get3A_71] {strides = array<i32>} : memref<16x512xf32, #tpu.memory_space<vmem>>, vector<16xf32>,
      %slice3A_73 = vector.extract_strided_slice %get3A_3 {offsets = [2], sizes = [1], strides = [1]} : vector<16xf32> to vector<1xf32>
      %squeeze3A_74 = vector.extract %slice3A_73[0] : f32 from vector<1xf32>
      %add3A_75 = vector.broadcast %squeeze3A_74 : f32 to vector<16xf32>
      %add3A_76 = arith.addf %get3A_72, %add3A_75 : vector<16xf32>
      %max3A_77 = arith.constant 0.000000e+00 : f32
      %max3A_78 = vector.broadcast %max3A_77 : f32 to vector<16xf32>
      %max3A_79 = arith.maximumf %add3A_76, %max3A_78 : vector<16xf32>
      %gt3A_80 = arith.cmpf ogt, %max3A_79, %select_n3A_68 : vector<16xf32>
      %not3A_81 = arith.constant dense<true> : vector<16xi1>
      %not3A_82 = arith.xori %gt3A_80, %not3A_81 : vector<16xi1>
      %gt3A_83 = arith.cmpf ogt, %max3A_79, %select_n3A_64 : vector<16xf32>
      %and3A_84 = arith.andi %not3A_82, %gt3A_83 : vector<16xi1>
      %jit3A_85 = arith.constant 2 : i32
      %broadcast_in_dim3A_86 = vector.broadcast %jit3A_85 : i32 to vector<16xi32>
      %select_n3A_87 = arith.select %and3A_84, %broadcast_in_dim3A_86, %select_n3A_62 : vector<16xi1>, vector<16xi32>
      %select_n3A_88 = arith.select %gt3A_80, %select_n3A_67, %select_n3A_87 : vector<16xi1>, vector<16xi32>
      %select_n3A_89 = arith.select %and3A_84, %max3A_79, %select_n3A_64 : vector<16xi1>, vector<16xf32>
      %select_n3A_90 = arith.select %gt3A_80, %select_n3A_68, %select_n3A_89 : vector<16xi1>, vector<16xf32>
      %jit3A_91 = arith.constant 2 : i32
      %broadcast_in_dim3A_92 = vector.broadcast %jit3A_91 : i32 to vector<16xi32>
      %select_n3A_93 = arith.select %gt3A_80, %broadcast_in_dim3A_92, %select_n3A_67 : vector<16xi1>, vector<16xi32>
      %select_n3A_94 = arith.select %gt3A_80, %max3A_79, %select_n3A_68 : vector<16xi1>, vector<16xf32>
      %get3A_95 = arith.constant 3 : i32
      %get3A_96 = arith.index_cast %get3A_95 : i32 to index
      %get3A_97 = arith.index_cast %mul3A_14 : i32 to index
      %get3A_98 = tpu.vector_load %arg6[%get3A_96, %get3A_97] {strides = array<i32>} : memref<16x512xf32, #tpu.memory_space<vmem>>, vector<16xf32>,
      %slice3A_99 = vector.extract_strided_slice %get3A_3 {offsets = [3], sizes = [1], strides = [1]} : vector<16xf32> to vector<1xf32>
      %squeeze3A_100 = vector.extract %slice3A_99[0] : f32 from vector<1xf32>
      %add3A_101 = vector.broadcast %squeeze3A_100 : f32 to vector<16xf32>
      %add3A_102 = arith.addf %get3A_98, %add3A_101 : vector<16xf32>
      %max3A_103 = arith.constant 0.000000e+00 : f32
      %max3A_104 = vector.broadcast %max3A_103 : f32 to vector<16xf32>
      %max3A_105 = arith.maximumf %add3A_102, %max3A_104 : vector<16xf32>
      %gt3A_106 = arith.cmpf ogt, %max3A_105, %select_n3A_94 : vector<16xf32>
      %not3A_107 = arith.constant dense<true> : vector<16xi1>
      %not3A_108 = arith.xori %gt3A_106, %not3A_107 : vector<16xi1>
      %gt3A_109 = arith.cmpf ogt, %max3A_105, %select_n3A_90 : vector<16xf32>
      %and3A_110 = arith.andi %not3A_108, %gt3A_109 : vector<16xi1>
      %jit3A_111 = arith.constant 3 : i32
      %broadcast_in_dim3A_112 = vector.broadcast %jit3A_111 : i32 to vector<16xi32>
      %select_n3A_113 = arith.select %and3A_110, %broadcast_in_dim3A_112, %select_n3A_88 : vector<16xi1>, vector<16xi32>
      %select_n3A_114 = arith.select %gt3A_106, %select_n3A_93, %select_n3A_113 : vector<16xi1>, vector<16xi32>
      %select_n3A_115 = arith.select %and3A_110, %max3A_105, %select_n3A_90 : vector<16xi1>, vector<16xf32>
      %select_n3A_116 = arith.select %gt3A_106, %select_n3A_94, %select_n3A_115 : vector<16xi1>, vector<16xf32>
      %jit3A_117 = arith.constant 3 : i32
      %broadcast_in_dim3A_118 = vector.broadcast %jit3A_117 : i32 to vector<16xi32>
      %select_n3A_119 = arith.select %gt3A_106, %broadcast_in_dim3A_118, %select_n3A_93 : vector<16xi1>, vector<16xi32>
      %select_n3A_120 = arith.select %gt3A_106, %max3A_105, %select_n3A_94 : vector<16xi1>, vector<16xf32>
      %get3A_121 = arith.constant 4 : i32
      %get3A_122 = arith.index_cast %get3A_121 : i32 to index
      %get3A_123 = arith.index_cast %mul3A_14 : i32 to index
      %get3A_124 = tpu.vector_load %arg6[%get3A_122, %get3A_123] {strides = array<i32>} : memref<16x512xf32, #tpu.memory_space<vmem>>, vector<16xf32>,
      %slice3A_125 = vector.extract_strided_slice %get3A_3 {offsets = [4], sizes = [1], strides = [1]} : vector<16xf32> to vector<1xf32>
      %squeeze3A_126 = vector.extract %slice3A_125[0] : f32 from vector<1xf32>
      %add3A_127 = vector.broadcast %squeeze3A_126 : f32 to vector<16xf32>
      %add3A_128 = arith.addf %get3A_124, %add3A_127 : vector<16xf32>
      %max3A_129 = arith.constant 0.000000e+00 : f32
      %max3A_130 = vector.broadcast %max3A_129 : f32 to vector<16xf32>
      %max3A_131 = arith.maximumf %add3A_128, %max3A_130 : vector<16xf32>
      %gt3A_132 = arith.cmpf ogt, %max3A_131, %select_n3A_120 : vector<16xf32>
      %not3A_133 = arith.constant dense<true> : vector<16xi1>
      %not3A_134 = arith.xori %gt3A_132, %not3A_133 : vector<16xi1>
      %gt3A_135 = arith.cmpf ogt, %max3A_131, %select_n3A_116 : vector<16xf32>
      %and3A_136 = arith.andi %not3A_134, %gt3A_135 : vector<16xi1>
      %jit3A_137 = arith.constant 4 : i32
      %broadcast_in_dim3A_138 = vector.broadcast %jit3A_137 : i32 to vector<16xi32>
      %select_n3A_139 = arith.select %and3A_136, %broadcast_in_dim3A_138, %select_n3A_114 : vector<16xi1>, vector<16xi32>
      %select_n3A_140 = arith.select %gt3A_132, %select_n3A_119, %select_n3A_139 : vector<16xi1>, vector<16xi32>
      %select_n3A_141 = arith.select %and3A_136, %max3A_131, %select_n3A_116 : vector<16xi1>, vector<16xf32>
      %select_n3A_142 = arith.select %gt3A_132, %select_n3A_120, %select_n3A_141 : vector<16xi1>, vector<16xf32>
      %jit3A_143 = arith.constant 4 : i32
      %broadcast_in_dim3A_144 = vector.broadcast %jit3A_143 : i32 to vector<16xi32>
      %select_n3A_145 = arith.select %gt3A_132, %broadcast_in_dim3A_144, %select_n3A_119 : vector<16xi1>, vector<16xi32>
      %select_n3A_146 = arith.select %gt3A_132, %max3A_131, %select_n3A_120 : vector<16xi1>, vector<16xf32>
      %get3A_147 = arith.constant 5 : i32
      %get3A_148 = arith.index_cast %get3A_147 : i32 to index
      %get3A_149 = arith.index_cast %mul3A_14 : i32 to index
      %get3A_150 = tpu.vector_load %arg6[%get3A_148, %get3A_149] {strides = array<i32>} : memref<16x512xf32, #tpu.memory_space<vmem>>, vector<16xf32>,
      %slice3A_151 = vector.extract_strided_slice %get3A_3 {offsets = [5], sizes = [1], strides = [1]} : vector<16xf32> to vector<1xf32>
      %squeeze3A_152 = vector.extract %slice3A_151[0] : f32 from vector<1xf32>
      %add3A_153 = vector.broadcast %squeeze3A_152 : f32 to vector<16xf32>
      %add3A_154 = arith.addf %get3A_150, %add3A_153 : vector<16xf32>
      %max3A_155 = arith.constant 0.000000e+00 : f32
      %max3A_156 = vector.broadcast %max3A_155 : f32 to vector<16xf32>
      %max3A_157 = arith.maximumf %add3A_154, %max3A_156 : vector<16xf32>
      %gt3A_158 = arith.cmpf ogt, %max3A_157, %select_n3A_146 : vector<16xf32>
      %not3A_159 = arith.constant dense<true> : vector<16xi1>
      %not3A_160 = arith.xori %gt3A_158, %not3A_159 : vector<16xi1>
      %gt3A_161 = arith.cmpf ogt, %max3A_157, %select_n3A_142 : vector<16xf32>
      %and3A_162 = arith.andi %not3A_160, %gt3A_161 : vector<16xi1>
      %jit3A_163 = arith.constant 5 : i32
      %broadcast_in_dim3A_164 = vector.broadcast %jit3A_163 : i32 to vector<16xi32>
      %select_n3A_165 = arith.select %and3A_162, %broadcast_in_dim3A_164, %select_n3A_140 : vector<16xi1>, vector<16xi32>
      %select_n3A_166 = arith.select %gt3A_158, %select_n3A_145, %select_n3A_165 : vector<16xi1>, vector<16xi32>
      %select_n3A_167 = arith.select %and3A_162, %max3A_157, %select_n3A_142 : vector<16xi1>, vector<16xf32>
      %select_n3A_168 = arith.select %gt3A_158, %select_n3A_146, %select_n3A_167 : vector<16xi1>, vector<16xf32>
      %jit3A_169 = arith.constant 5 : i32
      %broadcast_in_dim3A_170 = vector.broadcast %jit3A_169 : i32 to vector<16xi32>
      %select_n3A_171 = arith.select %gt3A_158, %broadcast_in_dim3A_170, %select_n3A_145 : vector<16xi1>, vector<16xi32>
      %select_n3A_172 = arith.select %gt3A_158, %max3A_157, %select_n3A_146 : vector<16xi1>, vector<16xf32>
      %get3A_173 = arith.constant 6 : i32
      %get3A_174 = arith.index_cast %get3A_173 : i32 to index
      %get3A_175 = arith.index_cast %mul3A_14 : i32 to index
      %get3A_176 = tpu.vector_load %arg6[%get3A_174, %get3A_175] {strides = array<i32>} : memref<16x512xf32, #tpu.memory_space<vmem>>, vector<16xf32>,
      %slice3A_177 = vector.extract_strided_slice %get3A_3 {offsets = [6], sizes = [1], strides = [1]} : vector<16xf32> to vector<1xf32>
      %squeeze3A_178 = vector.extract %slice3A_177[0] : f32 from vector<1xf32>
      %add3A_179 = vector.broadcast %squeeze3A_178 : f32 to vector<16xf32>
      %add3A_180 = arith.addf %get3A_176, %add3A_179 : vector<16xf32>
      %max3A_181 = arith.constant 0.000000e+00 : f32
      %max3A_182 = vector.broadcast %max3A_181 : f32 to vector<16xf32>
      %max3A_183 = arith.maximumf %add3A_180, %max3A_182 : vector<16xf32>
      %gt3A_184 = arith.cmpf ogt, %max3A_183, %select_n3A_172 : vector<16xf32>
      %not3A_185 = arith.constant dense<true> : vector<16xi1>
      %not3A_186 = arith.xori %gt3A_184, %not3A_185 : vector<16xi1>
      %gt3A_187 = arith.cmpf ogt, %max3A_183, %select_n3A_168 : vector<16xf32>
      %and3A_188 = arith.andi %not3A_186, %gt3A_187 : vector<16xi1>
      %jit3A_189 = arith.constant 6 : i32
      %broadcast_in_dim3A_190 = vector.broadcast %jit3A_189 : i32 to vector<16xi32>
      %select_n3A_191 = arith.select %and3A_188, %broadcast_in_dim3A_190, %select_n3A_166 : vector<16xi1>, vector<16xi32>
      %select_n3A_192 = arith.select %gt3A_184, %select_n3A_171, %select_n3A_191 : vector<16xi1>, vector<16xi32>
      %select_n3A_193 = arith.select %and3A_188, %max3A_183, %select_n3A_168 : vector<16xi1>, vector<16xf32>
      %select_n3A_194 = arith.select %gt3A_184, %select_n3A_172, %select_n3A_193 : vector<16xi1>, vector<16xf32>
      %jit3A_195 = arith.constant 6 : i32
      %broadcast_in_dim3A_196 = vector.broadcast %jit3A_195 : i32 to vector<16xi32>
      %select_n3A_197 = arith.select %gt3A_184, %broadcast_in_dim3A_196, %select_n3A_171 : vector<16xi1>, vector<16xi32>
      %select_n3A_198 = arith.select %gt3A_184, %max3A_183, %select_n3A_172 : vector<16xi1>, vector<16xf32>
      %get3A_199 = arith.constant 7 : i32
      %get3A_200 = arith.index_cast %get3A_199 : i32 to index
      %get3A_201 = arith.index_cast %mul3A_14 : i32 to index
      %get3A_202 = tpu.vector_load %arg6[%get3A_200, %get3A_201] {strides = array<i32>} : memref<16x512xf32, #tpu.memory_space<vmem>>, vector<16xf32>,
      %slice3A_203 = vector.extract_strided_slice %get3A_3 {offsets = [7], sizes = [1], strides = [1]} : vector<16xf32> to vector<1xf32>
      %squeeze3A_204 = vector.extract %slice3A_203[0] : f32 from vector<1xf32>
      %add3A_205 = vector.broadcast %squeeze3A_204 : f32 to vector<16xf32>
      %add3A_206 = arith.addf %get3A_202, %add3A_205 : vector<16xf32>
      %max3A_207 = arith.constant 0.000000e+00 : f32
      %max3A_208 = vector.broadcast %max3A_207 : f32 to vector<16xf32>
      %max3A_209 = arith.maximumf %add3A_206, %max3A_208 : vector<16xf32>
      %gt3A_210 = arith.cmpf ogt, %max3A_209, %select_n3A_198 : vector<16xf32>
      %not3A_211 = arith.constant dense<true> : vector<16xi1>
      %not3A_212 = arith.xori %gt3A_210, %not3A_211 : vector<16xi1>
      %gt3A_213 = arith.cmpf ogt, %max3A_209, %select_n3A_194 : vector<16xf32>
      %and3A_214 = arith.andi %not3A_212, %gt3A_213 : vector<16xi1>
      %jit3A_215 = arith.constant 7 : i32
      %broadcast_in_dim3A_216 = vector.broadcast %jit3A_215 : i32 to vector<16xi32>
      %select_n3A_217 = arith.select %and3A_214, %broadcast_in_dim3A_216, %select_n3A_192 : vector<16xi1>, vector<16xi32>
      %select_n3A_218 = arith.select %gt3A_210, %select_n3A_197, %select_n3A_217 : vector<16xi1>, vector<16xi32>
      %select_n3A_219 = arith.select %and3A_214, %max3A_209, %select_n3A_194 : vector<16xi1>, vector<16xf32>
      %select_n3A_220 = arith.select %gt3A_210, %select_n3A_198, %select_n3A_219 : vector<16xi1>, vector<16xf32>
      %jit3A_221 = arith.constant 7 : i32
      %broadcast_in_dim3A_222 = vector.broadcast %jit3A_221 : i32 to vector<16xi32>
      %select_n3A_223 = arith.select %gt3A_210, %broadcast_in_dim3A_222, %select_n3A_197 : vector<16xi1>, vector<16xi32>
      %select_n3A_224 = arith.select %gt3A_210, %max3A_209, %select_n3A_198 : vector<16xi1>, vector<16xf32>
      %get3A_225 = arith.constant 8 : i32
      %get3A_226 = arith.index_cast %get3A_225 : i32 to index
      %get3A_227 = arith.index_cast %mul3A_14 : i32 to index
      %get3A_228 = tpu.vector_load %arg6[%get3A_226, %get3A_227] {strides = array<i32>} : memref<16x512xf32, #tpu.memory_space<vmem>>, vector<16xf32>,
      %slice3A_229 = vector.extract_strided_slice %get3A_3 {offsets = [8], sizes = [1], strides = [1]} : vector<16xf32> to vector<1xf32>
      %squeeze3A_230 = vector.extract %slice3A_229[0] : f32 from vector<1xf32>
      %add3A_231 = vector.broadcast %squeeze3A_230 : f32 to vector<16xf32>
      %add3A_232 = arith.addf %get3A_228, %add3A_231 : vector<16xf32>
      %max3A_233 = arith.constant 0.000000e+00 : f32
      %max3A_234 = vector.broadcast %max3A_233 : f32 to vector<16xf32>
      %max3A_235 = arith.maximumf %add3A_232, %max3A_234 : vector<16xf32>
      %gt3A_236 = arith.cmpf ogt, %max3A_235, %select_n3A_224 : vector<16xf32>
      %not3A_237 = arith.constant dense<true> : vector<16xi1>
      %not3A_238 = arith.xori %gt3A_236, %not3A_237 : vector<16xi1>
      %gt3A_239 = arith.cmpf ogt, %max3A_235, %select_n3A_220 : vector<16xf32>
      %and3A_240 = arith.andi %not3A_238, %gt3A_239 : vector<16xi1>
      %jit3A_241 = arith.constant 8 : i32
      %broadcast_in_dim3A_242 = vector.broadcast %jit3A_241 : i32 to vector<16xi32>
      %select_n3A_243 = arith.select %and3A_240, %broadcast_in_dim3A_242, %select_n3A_218 : vector<16xi1>, vector<16xi32>
      %select_n3A_244 = arith.select %gt3A_236, %select_n3A_223, %select_n3A_243 : vector<16xi1>, vector<16xi32>
      %select_n3A_245 = arith.select %and3A_240, %max3A_235, %select_n3A_220 : vector<16xi1>, vector<16xf32>
      %select_n3A_246 = arith.select %gt3A_236, %select_n3A_224, %select_n3A_245 : vector<16xi1>, vector<16xf32>
      %jit3A_247 = arith.constant 8 : i32
      %broadcast_in_dim3A_248 = vector.broadcast %jit3A_247 : i32 to vector<16xi32>
      %select_n3A_249 = arith.select %gt3A_236, %broadcast_in_dim3A_248, %select_n3A_223 : vector<16xi1>, vector<16xi32>
      %select_n3A_250 = arith.select %gt3A_236, %max3A_235, %select_n3A_224 : vector<16xi1>, vector<16xf32>
      %get3A_251 = arith.constant 9 : i32
      %get3A_252 = arith.index_cast %get3A_251 : i32 to index
      %get3A_253 = arith.index_cast %mul3A_14 : i32 to index
      %get3A_254 = tpu.vector_load %arg6[%get3A_252, %get3A_253] {strides = array<i32>} : memref<16x512xf32, #tpu.memory_space<vmem>>, vector<16xf32>,
      %slice3A_255 = vector.extract_strided_slice %get3A_3 {offsets = [9], sizes = [1], strides = [1]} : vector<16xf32> to vector<1xf32>
      %squeeze3A_256 = vector.extract %slice3A_255[0] : f32 from vector<1xf32>
      %add3A_257 = vector.broadcast %squeeze3A_256 : f32 to vector<16xf32>
      %add3A_258 = arith.addf %get3A_254, %add3A_257 : vector<16xf32>
      %max3A_259 = arith.constant 0.000000e+00 : f32
      %max3A_260 = vector.broadcast %max3A_259 : f32 to vector<16xf32>
      %max3A_261 = arith.maximumf %add3A_258, %max3A_260 : vector<16xf32>
      %gt3A_262 = arith.cmpf ogt, %max3A_261, %select_n3A_250 : vector<16xf32>
      %not3A_263 = arith.constant dense<true> : vector<16xi1>
      %not3A_264 = arith.xori %gt3A_262, %not3A_263 : vector<16xi1>
      %gt3A_265 = arith.cmpf ogt, %max3A_261, %select_n3A_246 : vector<16xf32>
      %and3A_266 = arith.andi %not3A_264, %gt3A_265 : vector<16xi1>
      %jit3A_267 = arith.constant 9 : i32
      %broadcast_in_dim3A_268 = vector.broadcast %jit3A_267 : i32 to vector<16xi32>
      %select_n3A_269 = arith.select %and3A_266, %broadcast_in_dim3A_268, %select_n3A_244 : vector<16xi1>, vector<16xi32>
      %select_n3A_270 = arith.select %gt3A_262, %select_n3A_249, %select_n3A_269 : vector<16xi1>, vector<16xi32>
      %select_n3A_271 = arith.select %and3A_266, %max3A_261, %select_n3A_246 : vector<16xi1>, vector<16xf32>
      %select_n3A_272 = arith.select %gt3A_262, %select_n3A_250, %select_n3A_271 : vector<16xi1>, vector<16xf32>
      %jit3A_273 = arith.constant 9 : i32
      %broadcast_in_dim3A_274 = vector.broadcast %jit3A_273 : i32 to vector<16xi32>
      %select_n3A_275 = arith.select %gt3A_262, %broadcast_in_dim3A_274, %select_n3A_249 : vector<16xi1>, vector<16xi32>
      %select_n3A_276 = arith.select %gt3A_262, %max3A_261, %select_n3A_250 : vector<16xi1>, vector<16xf32>
      %get3A_277 = arith.constant 10 : i32
      %get3A_278 = arith.index_cast %get3A_277 : i32 to index
      %get3A_279 = arith.index_cast %mul3A_14 : i32 to index
      %get3A_280 = tpu.vector_load %arg6[%get3A_278, %get3A_279] {strides = array<i32>} : memref<16x512xf32, #tpu.memory_space<vmem>>, vector<16xf32>,
      %slice3A_281 = vector.extract_strided_slice %get3A_3 {offsets = [10], sizes = [1], strides = [1]} : vector<16xf32> to vector<1xf32>
      %squeeze3A_282 = vector.extract %slice3A_281[0] : f32 from vector<1xf32>
      %add3A_283 = vector.broadcast %squeeze3A_282 : f32 to vector<16xf32>
      %add3A_284 = arith.addf %get3A_280, %add3A_283 : vector<16xf32>
      %max3A_285 = arith.constant 0.000000e+00 : f32
      %max3A_286 = vector.broadcast %max3A_285 : f32 to vector<16xf32>
      %max3A_287 = arith.maximumf %add3A_284, %max3A_286 : vector<16xf32>
      %gt3A_288 = arith.cmpf ogt, %max3A_287, %select_n3A_276 : vector<16xf32>
      %not3A_289 = arith.constant dense<true> : vector<16xi1>
      %not3A_290 = arith.xori %gt3A_288, %not3A_289 : vector<16xi1>
      %gt3A_291 = arith.cmpf ogt, %max3A_287, %select_n3A_272 : vector<16xf32>
      %and3A_292 = arith.andi %not3A_290, %gt3A_291 : vector<16xi1>
      %jit3A_293 = arith.constant 10 : i32
      %broadcast_in_dim3A_294 = vector.broadcast %jit3A_293 : i32 to vector<16xi32>
      %select_n3A_295 = arith.select %and3A_292, %broadcast_in_dim3A_294, %select_n3A_270 : vector<16xi1>, vector<16xi32>
      %select_n3A_296 = arith.select %gt3A_288, %select_n3A_275, %select_n3A_295 : vector<16xi1>, vector<16xi32>
      %select_n3A_297 = arith.select %and3A_292, %max3A_287, %select_n3A_272 : vector<16xi1>, vector<16xf32>
      %select_n3A_298 = arith.select %gt3A_288, %select_n3A_276, %select_n3A_297 : vector<16xi1>, vector<16xf32>
      %jit3A_299 = arith.constant 10 : i32
      %broadcast_in_dim3A_300 = vector.broadcast %jit3A_299 : i32 to vector<16xi32>
      %select_n3A_301 = arith.select %gt3A_288, %broadcast_in_dim3A_300, %select_n3A_275 : vector<16xi1>, vector<16xi32>
      %select_n3A_302 = arith.select %gt3A_288, %max3A_287, %select_n3A_276 : vector<16xi1>, vector<16xf32>
      %get3A_303 = arith.constant 11 : i32
      %get3A_304 = arith.index_cast %get3A_303 : i32 to index
      %get3A_305 = arith.index_cast %mul3A_14 : i32 to index
      %get3A_306 = tpu.vector_load %arg6[%get3A_304, %get3A_305] {strides = array<i32>} : memref<16x512xf32, #tpu.memory_space<vmem>>, vector<16xf32>,
      %slice3A_307 = vector.extract_strided_slice %get3A_3 {offsets = [11], sizes = [1], strides = [1]} : vector<16xf32> to vector<1xf32>
      %squeeze3A_308 = vector.extract %slice3A_307[0] : f32 from vector<1xf32>
      %add3A_309 = vector.broadcast %squeeze3A_308 : f32 to vector<16xf32>
      %add3A_310 = arith.addf %get3A_306, %add3A_309 : vector<16xf32>
      %max3A_311 = arith.constant 0.000000e+00 : f32
      %max3A_312 = vector.broadcast %max3A_311 : f32 to vector<16xf32>
      %max3A_313 = arith.maximumf %add3A_310, %max3A_312 : vector<16xf32>
      %gt3A_314 = arith.cmpf ogt, %max3A_313, %select_n3A_302 : vector<16xf32>
      %not3A_315 = arith.constant dense<true> : vector<16xi1>
      %not3A_316 = arith.xori %gt3A_314, %not3A_315 : vector<16xi1>
      %gt3A_317 = arith.cmpf ogt, %max3A_313, %select_n3A_298 : vector<16xf32>
      %and3A_318 = arith.andi %not3A_316, %gt3A_317 : vector<16xi1>
      %jit3A_319 = arith.constant 11 : i32
      %broadcast_in_dim3A_320 = vector.broadcast %jit3A_319 : i32 to vector<16xi32>
      %select_n3A_321 = arith.select %and3A_318, %broadcast_in_dim3A_320, %select_n3A_296 : vector<16xi1>, vector<16xi32>
      %select_n3A_322 = arith.select %gt3A_314, %select_n3A_301, %select_n3A_321 : vector<16xi1>, vector<16xi32>
      %select_n3A_323 = arith.select %and3A_318, %max3A_313, %select_n3A_298 : vector<16xi1>, vector<16xf32>
      %select_n3A_324 = arith.select %gt3A_314, %select_n3A_302, %select_n3A_323 : vector<16xi1>, vector<16xf32>
      %jit3A_325 = arith.constant 11 : i32
      %broadcast_in_dim3A_326 = vector.broadcast %jit3A_325 : i32 to vector<16xi32>
      %select_n3A_327 = arith.select %gt3A_314, %broadcast_in_dim3A_326, %select_n3A_301 : vector<16xi1>, vector<16xi32>
      %select_n3A_328 = arith.select %gt3A_314, %max3A_313, %select_n3A_302 : vector<16xi1>, vector<16xf32>
      %get3A_329 = arith.constant 12 : i32
      %get3A_330 = arith.index_cast %get3A_329 : i32 to index
      %get3A_331 = arith.index_cast %mul3A_14 : i32 to index
      %get3A_332 = tpu.vector_load %arg6[%get3A_330, %get3A_331] {strides = array<i32>} : memref<16x512xf32, #tpu.memory_space<vmem>>, vector<16xf32>,
      %slice3A_333 = vector.extract_strided_slice %get3A_3 {offsets = [12], sizes = [1], strides = [1]} : vector<16xf32> to vector<1xf32>
      %squeeze3A_334 = vector.extract %slice3A_333[0] : f32 from vector<1xf32>
      %add3A_335 = vector.broadcast %squeeze3A_334 : f32 to vector<16xf32>
      %add3A_336 = arith.addf %get3A_332, %add3A_335 : vector<16xf32>
      %max3A_337 = arith.constant 0.000000e+00 : f32
      %max3A_338 = vector.broadcast %max3A_337 : f32 to vector<16xf32>
      %max3A_339 = arith.maximumf %add3A_336, %max3A_338 : vector<16xf32>
      %gt3A_340 = arith.cmpf ogt, %max3A_339, %select_n3A_328 : vector<16xf32>
      %not3A_341 = arith.constant dense<true> : vector<16xi1>
      %not3A_342 = arith.xori %gt3A_340, %not3A_341 : vector<16xi1>
      %gt3A_343 = arith.cmpf ogt, %max3A_339, %select_n3A_324 : vector<16xf32>
      %and3A_344 = arith.andi %not3A_342, %gt3A_343 : vector<16xi1>
      %jit3A_345 = arith.constant 12 : i32
      %broadcast_in_dim3A_346 = vector.broadcast %jit3A_345 : i32 to vector<16xi32>
      %select_n3A_347 = arith.select %and3A_344, %broadcast_in_dim3A_346, %select_n3A_322 : vector<16xi1>, vector<16xi32>
      %select_n3A_348 = arith.select %gt3A_340, %select_n3A_327, %select_n3A_347 : vector<16xi1>, vector<16xi32>
      %select_n3A_349 = arith.select %and3A_344, %max3A_339, %select_n3A_324 : vector<16xi1>, vector<16xf32>
      %select_n3A_350 = arith.select %gt3A_340, %select_n3A_328, %select_n3A_349 : vector<16xi1>, vector<16xf32>
      %jit3A_351 = arith.constant 12 : i32
      %broadcast_in_dim3A_352 = vector.broadcast %jit3A_351 : i32 to vector<16xi32>
      %select_n3A_353 = arith.select %gt3A_340, %broadcast_in_dim3A_352, %select_n3A_327 : vector<16xi1>, vector<16xi32>
      %select_n3A_354 = arith.select %gt3A_340, %max3A_339, %select_n3A_328 : vector<16xi1>, vector<16xf32>
      %get3A_355 = arith.constant 13 : i32
      %get3A_356 = arith.index_cast %get3A_355 : i32 to index
      %get3A_357 = arith.index_cast %mul3A_14 : i32 to index
      %get3A_358 = tpu.vector_load %arg6[%get3A_356, %get3A_357] {strides = array<i32>} : memref<16x512xf32, #tpu.memory_space<vmem>>, vector<16xf32>,
      %slice3A_359 = vector.extract_strided_slice %get3A_3 {offsets = [13], sizes = [1], strides = [1]} : vector<16xf32> to vector<1xf32>
      %squeeze3A_360 = vector.extract %slice3A_359[0] : f32 from vector<1xf32>
      %add3A_361 = vector.broadcast %squeeze3A_360 : f32 to vector<16xf32>
      %add3A_362 = arith.addf %get3A_358, %add3A_361 : vector<16xf32>
      %max3A_363 = arith.constant 0.000000e+00 : f32
      %max3A_364 = vector.broadcast %max3A_363 : f32 to vector<16xf32>
      %max3A_365 = arith.maximumf %add3A_362, %max3A_364 : vector<16xf32>
      %gt3A_366 = arith.cmpf ogt, %max3A_365, %select_n3A_354 : vector<16xf32>
      %not3A_367 = arith.constant dense<true> : vector<16xi1>
      %not3A_368 = arith.xori %gt3A_366, %not3A_367 : vector<16xi1>
      %gt3A_369 = arith.cmpf ogt, %max3A_365, %select_n3A_350 : vector<16xf32>
      %and3A_370 = arith.andi %not3A_368, %gt3A_369 : vector<16xi1>
      %jit3A_371 = arith.constant 13 : i32
      %broadcast_in_dim3A_372 = vector.broadcast %jit3A_371 : i32 to vector<16xi32>
      %select_n3A_373 = arith.select %and3A_370, %broadcast_in_dim3A_372, %select_n3A_348 : vector<16xi1>, vector<16xi32>
      %select_n3A_374 = arith.select %gt3A_366, %select_n3A_353, %select_n3A_373 : vector<16xi1>, vector<16xi32>
      %select_n3A_375 = arith.select %and3A_370, %max3A_365, %select_n3A_350 : vector<16xi1>, vector<16xf32>
      %select_n3A_376 = arith.select %gt3A_366, %select_n3A_354, %select_n3A_375 : vector<16xi1>, vector<16xf32>
      %jit3A_377 = arith.constant 13 : i32
      %broadcast_in_dim3A_378 = vector.broadcast %jit3A_377 : i32 to vector<16xi32>
      %select_n3A_379 = arith.select %gt3A_366, %broadcast_in_dim3A_378, %select_n3A_353 : vector<16xi1>, vector<16xi32>
      %select_n3A_380 = arith.select %gt3A_366, %max3A_365, %select_n3A_354 : vector<16xi1>, vector<16xf32>
      %get3A_381 = arith.constant 14 : i32
      %get3A_382 = arith.index_cast %get3A_381 : i32 to index
      %get3A_383 = arith.index_cast %mul3A_14 : i32 to index
      %get3A_384 = tpu.vector_load %arg6[%get3A_382, %get3A_383] {strides = array<i32>} : memref<16x512xf32, #tpu.memory_space<vmem>>, vector<16xf32>,
      %slice3A_385 = vector.extract_strided_slice %get3A_3 {offsets = [14], sizes = [1], strides = [1]} : vector<16xf32> to vector<1xf32>
      %squeeze3A_386 = vector.extract %slice3A_385[0] : f32 from vector<1xf32>
      %add3A_387 = vector.broadcast %squeeze3A_386 : f32 to vector<16xf32>
      %add3A_388 = arith.addf %get3A_384, %add3A_387 : vector<16xf32>
      %max3A_389 = arith.constant 0.000000e+00 : f32
      %max3A_390 = vector.broadcast %max3A_389 : f32 to vector<16xf32>
      %max3A_391 = arith.maximumf %add3A_388, %max3A_390 : vector<16xf32>
      %gt3A_392 = arith.cmpf ogt, %max3A_391, %select_n3A_380 : vector<16xf32>
      %not3A_393 = arith.constant dense<true> : vector<16xi1>
      %not3A_394 = arith.xori %gt3A_392, %not3A_393 : vector<16xi1>
      %gt3A_395 = arith.cmpf ogt, %max3A_391, %select_n3A_376 : vector<16xf32>
      %and3A_396 = arith.andi %not3A_394, %gt3A_395 : vector<16xi1>
      %jit3A_397 = arith.constant 14 : i32
      %broadcast_in_dim3A_398 = vector.broadcast %jit3A_397 : i32 to vector<16xi32>
      %select_n3A_399 = arith.select %and3A_396, %broadcast_in_dim3A_398, %select_n3A_374 : vector<16xi1>, vector<16xi32>
      %select_n3A_400 = arith.select %gt3A_392, %select_n3A_379, %select_n3A_399 : vector<16xi1>, vector<16xi32>
      %select_n3A_401 = arith.select %and3A_396, %max3A_391, %select_n3A_376 : vector<16xi1>, vector<16xf32>
      %select_n3A_402 = arith.select %gt3A_392, %select_n3A_380, %select_n3A_401 : vector<16xi1>, vector<16xf32>
      %jit3A_403 = arith.constant 14 : i32
      %broadcast_in_dim3A_404 = vector.broadcast %jit3A_403 : i32 to vector<16xi32>
      %select_n3A_405 = arith.select %gt3A_392, %broadcast_in_dim3A_404, %select_n3A_379 : vector<16xi1>, vector<16xi32>
      %select_n3A_406 = arith.select %gt3A_392, %max3A_391, %select_n3A_380 : vector<16xi1>, vector<16xf32>
      %get3A_407 = arith.constant 15 : i32
      %get3A_408 = arith.index_cast %get3A_407 : i32 to index
      %get3A_409 = arith.index_cast %mul3A_14 : i32 to index
      %get3A_410 = tpu.vector_load %arg6[%get3A_408, %get3A_409] {strides = array<i32>} : memref<16x512xf32, #tpu.memory_space<vmem>>, vector<16xf32>,
      %slice3A_411 = vector.extract_strided_slice %get3A_3 {offsets = [15], sizes = [1], strides = [1]} : vector<16xf32> to vector<1xf32>
      %squeeze3A_412 = vector.extract %slice3A_411[0] : f32 from vector<1xf32>
      %add3A_413 = vector.broadcast %squeeze3A_412 : f32 to vector<16xf32>
      %add3A_414 = arith.addf %get3A_410, %add3A_413 : vector<16xf32>
      %max3A_415 = arith.constant 0.000000e+00 : f32
      %max3A_416 = vector.broadcast %max3A_415 : f32 to vector<16xf32>
      %max3A_417 = arith.maximumf %add3A_414, %max3A_416 : vector<16xf32>
      %gt3A_418 = arith.cmpf ogt, %max3A_417, %select_n3A_406 : vector<16xf32>
      %not3A_419 = arith.constant dense<true> : vector<16xi1>
      %not3A_420 = arith.xori %gt3A_418, %not3A_419 : vector<16xi1>
      %gt3A_421 = arith.cmpf ogt, %max3A_417, %select_n3A_402 : vector<16xf32>
      %and3A_422 = arith.andi %not3A_420, %gt3A_421 : vector<16xi1>
      %jit3A_423 = arith.constant 15 : i32
      %broadcast_in_dim3A_424 = vector.broadcast %jit3A_423 : i32 to vector<16xi32>
      %select_n3A_425 = arith.select %and3A_422, %broadcast_in_dim3A_424, %select_n3A_400 : vector<16xi1>, vector<16xi32>
      %select_n3A_426 = arith.select %gt3A_418, %select_n3A_405, %select_n3A_425 : vector<16xi1>, vector<16xi32>
      %select_n3A_427 = arith.select %and3A_422, %max3A_417, %select_n3A_402 : vector<16xi1>, vector<16xf32>
      %select_n3A_428 = arith.select %gt3A_418, %select_n3A_406, %select_n3A_427 : vector<16xi1>, vector<16xf32>
      %jit3A_429 = arith.constant 15 : i32
      %broadcast_in_dim3A_430 = vector.broadcast %jit3A_429 : i32 to vector<16xi32>
      %select_n3A_431 = arith.select %gt3A_418, %broadcast_in_dim3A_430, %select_n3A_405 : vector<16xi1>, vector<16xi32>
      %select_n3A_432 = arith.select %gt3A_418, %max3A_417, %select_n3A_406 : vector<16xi1>, vector<16xf32>
      %sub3A = arith.subf %select_n3A_428, %select_n3A_432 : vector<16xf32>
      %exp3A = math.exp %sub3A : vector<16xf32>
      %add3A_433 = arith.constant 1.000000e+00 : f32
      %add3A_434 = vector.broadcast %add3A_433 : f32 to vector<16xf32>
      %add3A_435 = arith.addf %add3A_434, %exp3A : vector<16xf32>
      %div3A = arith.constant 1.000000e+00 : f32
      %div3A_436 = vector.broadcast %div3A : f32 to vector<16xf32>
      %div3A_437 = arith.divf %div3A_436, %add3A_435 : vector<16xf32>
      %div3A_438 = arith.divf %exp3A, %add3A_435 : vector<16xf32>
      %swap3A = arith.constant 0 : i32
      %swap3A_439 = arith.index_cast %swap3A : i32 to index
      %swap3A_440 = arith.index_cast %mul3A_14 : i32 to index
      %swap3A_441 = tpu.vector_load %arg8[%swap3A_439, %swap3A_440] {strides = array<i32>} : memref<16x512xf32, #tpu.memory_space<vmem>>, vector<16xf32>,
      tpu.vector_store %arg8[%swap3A_439, %swap3A_440], %broadcast_in_dim3A_4 {strides = array<i32>} : memref<16x512xf32, #tpu.memory_space<vmem>>, vector<16xf32>,
      %swap3A_442 = arith.constant 0 : i32
      %swap3A_443 = arith.index_cast %swap3A_442 : i32 to index
      %swap3A_444 = arith.index_cast %mul3A_14 : i32 to index
      %swap3A_445 = tpu.vector_load %arg9[%swap3A_443, %swap3A_444] {strides = array<i32>} : memref<16x512xf32, #tpu.memory_space<vmem>>, vector<16xf32>,
      tpu.vector_store %arg9[%swap3A_443, %swap3A_444], %broadcast_in_dim3A_4 {strides = array<i32>} : memref<16x512xf32, #tpu.memory_space<vmem>>, vector<16xf32>,
      %swap3A_446 = arith.constant 1 : i32
      %swap3A_447 = arith.index_cast %swap3A_446 : i32 to index
      %swap3A_448 = arith.index_cast %mul3A_14 : i32 to index
      %swap3A_449 = tpu.vector_load %arg8[%swap3A_447, %swap3A_448] {strides = array<i32>} : memref<16x512xf32, #tpu.memory_space<vmem>>, vector<16xf32>,
      tpu.vector_store %arg8[%swap3A_447, %swap3A_448], %broadcast_in_dim3A_4 {strides = array<i32>} : memref<16x512xf32, #tpu.memory_space<vmem>>, vector<16xf32>,
      %swap3A_450 = arith.constant 1 : i32
      %swap3A_451 = arith.index_cast %swap3A_450 : i32 to index
      %swap3A_452 = arith.index_cast %mul3A_14 : i32 to index
      %swap3A_453 = tpu.vector_load %arg9[%swap3A_451, %swap3A_452] {strides = array<i32>} : memref<16x512xf32, #tpu.memory_space<vmem>>, vector<16xf32>,
      tpu.vector_store %arg9[%swap3A_451, %swap3A_452], %broadcast_in_dim3A_4 {strides = array<i32>} : memref<16x512xf32, #tpu.memory_space<vmem>>, vector<16xf32>,
      %swap3A_454 = arith.constant 2 : i32
      %swap3A_455 = arith.index_cast %swap3A_454 : i32 to index
      %swap3A_456 = arith.index_cast %mul3A_14 : i32 to index
      %swap3A_457 = tpu.vector_load %arg8[%swap3A_455, %swap3A_456] {strides = array<i32>} : memref<16x512xf32, #tpu.memory_space<vmem>>, vector<16xf32>,
      tpu.vector_store %arg8[%swap3A_455, %swap3A_456], %broadcast_in_dim3A_4 {strides = array<i32>} : memref<16x512xf32, #tpu.memory_space<vmem>>, vector<16xf32>,
      %swap3A_458 = arith.constant 2 : i32
      %swap3A_459 = arith.index_cast %swap3A_458 : i32 to index
      %swap3A_460 = arith.index_cast %mul3A_14 : i32 to index
      %swap3A_461 = tpu.vector_load %arg9[%swap3A_459, %swap3A_460] {strides = array<i32>} : memref<16x512xf32, #tpu.memory_space<vmem>>, vector<16xf32>,
      tpu.vector_store %arg9[%swap3A_459, %swap3A_460], %broadcast_in_dim3A_4 {strides = array<i32>} : memref<16x512xf32, #tpu.memory_space<vmem>>, vector<16xf32>,
      %swap3A_462 = arith.constant 3 : i32
      %swap3A_463 = arith.index_cast %swap3A_462 : i32 to index
      %swap3A_464 = arith.index_cast %mul3A_14 : i32 to index
      %swap3A_465 = tpu.vector_load %arg8[%swap3A_463, %swap3A_464] {strides = array<i32>} : memref<16x512xf32, #tpu.memory_space<vmem>>, vector<16xf32>,
      tpu.vector_store %arg8[%swap3A_463, %swap3A_464], %broadcast_in_dim3A_4 {strides = array<i32>} : memref<16x512xf32, #tpu.memory_space<vmem>>, vector<16xf32>,
      %swap3A_466 = arith.constant 3 : i32
      %swap3A_467 = arith.index_cast %swap3A_466 : i32 to index
      %swap3A_468 = arith.index_cast %mul3A_14 : i32 to index
      %swap3A_469 = tpu.vector_load %arg9[%swap3A_467, %swap3A_468] {strides = array<i32>} : memref<16x512xf32, #tpu.memory_space<vmem>>, vector<16xf32>,
      tpu.vector_store %arg9[%swap3A_467, %swap3A_468], %broadcast_in_dim3A_4 {strides = array<i32>} : memref<16x512xf32, #tpu.memory_space<vmem>>, vector<16xf32>,
      %swap3A_470 = arith.constant 4 : i32
      %swap3A_471 = arith.index_cast %swap3A_470 : i32 to index
      %swap3A_472 = arith.index_cast %mul3A_14 : i32 to index
      %swap3A_473 = tpu.vector_load %arg8[%swap3A_471, %swap3A_472] {strides = array<i32>} : memref<16x512xf32, #tpu.memory_space<vmem>>, vector<16xf32>,
      tpu.vector_store %arg8[%swap3A_471, %swap3A_472], %broadcast_in_dim3A_4 {strides = array<i32>} : memref<16x512xf32, #tpu.memory_space<vmem>>, vector<16xf32>,
      %swap3A_474 = arith.constant 4 : i32
      %swap3A_475 = arith.index_cast %swap3A_474 : i32 to index
      %swap3A_476 = arith.index_cast %mul3A_14 : i32 to index
      %swap3A_477 = tpu.vector_load %arg9[%swap3A_475, %swap3A_476] {strides = array<i32>} : memref<16x512xf32, #tpu.memory_space<vmem>>, vector<16xf32>,
      tpu.vector_store %arg9[%swap3A_475, %swap3A_476], %broadcast_in_dim3A_4 {strides = array<i32>} : memref<16x512xf32, #tpu.memory_space<vmem>>, vector<16xf32>,
      %swap3A_478 = arith.constant 5 : i32
      %swap3A_479 = arith.index_cast %swap3A_478 : i32 to index
      %swap3A_480 = arith.index_cast %mul3A_14 : i32 to index
      %swap3A_481 = tpu.vector_load %arg8[%swap3A_479, %swap3A_480] {strides = array<i32>} : memref<16x512xf32, #tpu.memory_space<vmem>>, vector<16xf32>,
      tpu.vector_store %arg8[%swap3A_479, %swap3A_480], %broadcast_in_dim3A_4 {strides = array<i32>} : memref<16x512xf32, #tpu.memory_space<vmem>>, vector<16xf32>,
      %swap3A_482 = arith.constant 5 : i32
      %swap3A_483 = arith.index_cast %swap3A_482 : i32 to index
      %swap3A_484 = arith.index_cast %mul3A_14 : i32 to index
      %swap3A_485 = tpu.vector_load %arg9[%swap3A_483, %swap3A_484] {strides = array<i32>} : memref<16x512xf32, #tpu.memory_space<vmem>>, vector<16xf32>,
      tpu.vector_store %arg9[%swap3A_483, %swap3A_484], %broadcast_in_dim3A_4 {strides = array<i32>} : memref<16x512xf32, #tpu.memory_space<vmem>>, vector<16xf32>,
      %swap3A_486 = arith.constant 6 : i32
      %swap3A_487 = arith.index_cast %swap3A_486 : i32 to index
      %swap3A_488 = arith.index_cast %mul3A_14 : i32 to index
      %swap3A_489 = tpu.vector_load %arg8[%swap3A_487, %swap3A_488] {strides = array<i32>} : memref<16x512xf32, #tpu.memory_space<vmem>>, vector<16xf32>,
      tpu.vector_store %arg8[%swap3A_487, %swap3A_488], %broadcast_in_dim3A_4 {strides = array<i32>} : memref<16x512xf32, #tpu.memory_space<vmem>>, vector<16xf32>,
      %swap3A_490 = arith.constant 6 : i32
      %swap3A_491 = arith.index_cast %swap3A_490 : i32 to index
      %swap3A_492 = arith.index_cast %mul3A_14 : i32 to index
      %swap3A_493 = tpu.vector_load %arg9[%swap3A_491, %swap3A_492] {strides = array<i32>} : memref<16x512xf32, #tpu.memory_space<vmem>>, vector<16xf32>,
      tpu.vector_store %arg9[%swap3A_491, %swap3A_492], %broadcast_in_dim3A_4 {strides = array<i32>} : memref<16x512xf32, #tpu.memory_space<vmem>>, vector<16xf32>,
      %swap3A_494 = arith.constant 7 : i32
      %swap3A_495 = arith.index_cast %swap3A_494 : i32 to index
      %swap3A_496 = arith.index_cast %mul3A_14 : i32 to index
      %swap3A_497 = tpu.vector_load %arg8[%swap3A_495, %swap3A_496] {strides = array<i32>} : memref<16x512xf32, #tpu.memory_space<vmem>>, vector<16xf32>,
      tpu.vector_store %arg8[%swap3A_495, %swap3A_496], %broadcast_in_dim3A_4 {strides = array<i32>} : memref<16x512xf32, #tpu.memory_space<vmem>>, vector<16xf32>,
      %swap3A_498 = arith.constant 7 : i32
      %swap3A_499 = arith.index_cast %swap3A_498 : i32 to index
      %swap3A_500 = arith.index_cast %mul3A_14 : i32 to index
      %swap3A_501 = tpu.vector_load %arg9[%swap3A_499, %swap3A_500] {strides = array<i32>} : memref<16x512xf32, #tpu.memory_space<vmem>>, vector<16xf32>,
      tpu.vector_store %arg9[%swap3A_499, %swap3A_500], %broadcast_in_dim3A_4 {strides = array<i32>} : memref<16x512xf32, #tpu.memory_space<vmem>>, vector<16xf32>,
      %swap3A_502 = arith.constant 8 : i32
      %swap3A_503 = arith.index_cast %swap3A_502 : i32 to index
      %swap3A_504 = arith.index_cast %mul3A_14 : i32 to index
      %swap3A_505 = tpu.vector_load %arg8[%swap3A_503, %swap3A_504] {strides = array<i32>} : memref<16x512xf32, #tpu.memory_space<vmem>>, vector<16xf32>,
      tpu.vector_store %arg8[%swap3A_503, %swap3A_504], %broadcast_in_dim3A_4 {strides = array<i32>} : memref<16x512xf32, #tpu.memory_space<vmem>>, vector<16xf32>,
      %swap3A_506 = arith.constant 8 : i32
      %swap3A_507 = arith.index_cast %swap3A_506 : i32 to index
      %swap3A_508 = arith.index_cast %mul3A_14 : i32 to index
      %swap3A_509 = tpu.vector_load %arg9[%swap3A_507, %swap3A_508] {strides = array<i32>} : memref<16x512xf32, #tpu.memory_space<vmem>>, vector<16xf32>,
      tpu.vector_store %arg9[%swap3A_507, %swap3A_508], %broadcast_in_dim3A_4 {strides = array<i32>} : memref<16x512xf32, #tpu.memory_space<vmem>>, vector<16xf32>,
      %swap3A_510 = arith.constant 9 : i32
      %swap3A_511 = arith.index_cast %swap3A_510 : i32 to index
      %swap3A_512 = arith.index_cast %mul3A_14 : i32 to index
      %swap3A_513 = tpu.vector_load %arg8[%swap3A_511, %swap3A_512] {strides = array<i32>} : memref<16x512xf32, #tpu.memory_space<vmem>>, vector<16xf32>,
      tpu.vector_store %arg8[%swap3A_511, %swap3A_512], %broadcast_in_dim3A_4 {strides = array<i32>} : memref<16x512xf32, #tpu.memory_space<vmem>>, vector<16xf32>,
      %swap3A_514 = arith.constant 9 : i32
      %swap3A_515 = arith.index_cast %swap3A_514 : i32 to index
      %swap3A_516 = arith.index_cast %mul3A_14 : i32 to index
      %swap3A_517 = tpu.vector_load %arg9[%swap3A_515, %swap3A_516] {strides = array<i32>} : memref<16x512xf32, #tpu.memory_space<vmem>>, vector<16xf32>,
      tpu.vector_store %arg9[%swap3A_515, %swap3A_516], %broadcast_in_dim3A_4 {strides = array<i32>} : memref<16x512xf32, #tpu.memory_space<vmem>>, vector<16xf32>,
      %swap3A_518 = arith.constant 10 : i32
      %swap3A_519 = arith.index_cast %swap3A_518 : i32 to index
      %swap3A_520 = arith.index_cast %mul3A_14 : i32 to index
      %swap3A_521 = tpu.vector_load %arg8[%swap3A_519, %swap3A_520] {strides = array<i32>} : memref<16x512xf32, #tpu.memory_space<vmem>>, vector<16xf32>,
      tpu.vector_store %arg8[%swap3A_519, %swap3A_520], %broadcast_in_dim3A_4 {strides = array<i32>} : memref<16x512xf32, #tpu.memory_space<vmem>>, vector<16xf32>,
      %swap3A_522 = arith.constant 10 : i32
      %swap3A_523 = arith.index_cast %swap3A_522 : i32 to index
      %swap3A_524 = arith.index_cast %mul3A_14 : i32 to index
      %swap3A_525 = tpu.vector_load %arg9[%swap3A_523, %swap3A_524] {strides = array<i32>} : memref<16x512xf32, #tpu.memory_space<vmem>>, vector<16xf32>,
      tpu.vector_store %arg9[%swap3A_523, %swap3A_524], %broadcast_in_dim3A_4 {strides = array<i32>} : memref<16x512xf32, #tpu.memory_space<vmem>>, vector<16xf32>,
      %swap3A_526 = arith.constant 11 : i32
      %swap3A_527 = arith.index_cast %swap3A_526 : i32 to index
      %swap3A_528 = arith.index_cast %mul3A_14 : i32 to index
      %swap3A_529 = tpu.vector_load %arg8[%swap3A_527, %swap3A_528] {strides = array<i32>} : memref<16x512xf32, #tpu.memory_space<vmem>>, vector<16xf32>,
      tpu.vector_store %arg8[%swap3A_527, %swap3A_528], %broadcast_in_dim3A_4 {strides = array<i32>} : memref<16x512xf32, #tpu.memory_space<vmem>>, vector<16xf32>,
      %swap3A_530 = arith.constant 11 : i32
      %swap3A_531 = arith.index_cast %swap3A_530 : i32 to index
      %swap3A_532 = arith.index_cast %mul3A_14 : i32 to index
      %swap3A_533 = tpu.vector_load %arg9[%swap3A_531, %swap3A_532] {strides = array<i32>} : memref<16x512xf32, #tpu.memory_space<vmem>>, vector<16xf32>,
      tpu.vector_store %arg9[%swap3A_531, %swap3A_532], %broadcast_in_dim3A_4 {strides = array<i32>} : memref<16x512xf32, #tpu.memory_space<vmem>>, vector<16xf32>,
      %swap3A_534 = arith.constant 12 : i32
      %swap3A_535 = arith.index_cast %swap3A_534 : i32 to index
      %swap3A_536 = arith.index_cast %mul3A_14 : i32 to index
      %swap3A_537 = tpu.vector_load %arg8[%swap3A_535, %swap3A_536] {strides = array<i32>} : memref<16x512xf32, #tpu.memory_space<vmem>>, vector<16xf32>,
      tpu.vector_store %arg8[%swap3A_535, %swap3A_536], %broadcast_in_dim3A_4 {strides = array<i32>} : memref<16x512xf32, #tpu.memory_space<vmem>>, vector<16xf32>,
      %swap3A_538 = arith.constant 12 : i32
      %swap3A_539 = arith.index_cast %swap3A_538 : i32 to index
      %swap3A_540 = arith.index_cast %mul3A_14 : i32 to index
      %swap3A_541 = tpu.vector_load %arg9[%swap3A_539, %swap3A_540] {strides = array<i32>} : memref<16x512xf32, #tpu.memory_space<vmem>>, vector<16xf32>,
      tpu.vector_store %arg9[%swap3A_539, %swap3A_540], %broadcast_in_dim3A_4 {strides = array<i32>} : memref<16x512xf32, #tpu.memory_space<vmem>>, vector<16xf32>,
      %swap3A_542 = arith.constant 13 : i32
      %swap3A_543 = arith.index_cast %swap3A_542 : i32 to index
      %swap3A_544 = arith.index_cast %mul3A_14 : i32 to index
      %swap3A_545 = tpu.vector_load %arg8[%swap3A_543, %swap3A_544] {strides = array<i32>} : memref<16x512xf32, #tpu.memory_space<vmem>>, vector<16xf32>,
      tpu.vector_store %arg8[%swap3A_543, %swap3A_544], %broadcast_in_dim3A_4 {strides = array<i32>} : memref<16x512xf32, #tpu.memory_space<vmem>>, vector<16xf32>,
      %swap3A_546 = arith.constant 13 : i32
      %swap3A_547 = arith.index_cast %swap3A_546 : i32 to index
      %swap3A_548 = arith.index_cast %mul3A_14 : i32 to index
      %swap3A_549 = tpu.vector_load %arg9[%swap3A_547, %swap3A_548] {strides = array<i32>} : memref<16x512xf32, #tpu.memory_space<vmem>>, vector<16xf32>,
      tpu.vector_store %arg9[%swap3A_547, %swap3A_548], %broadcast_in_dim3A_4 {strides = array<i32>} : memref<16x512xf32, #tpu.memory_space<vmem>>, vector<16xf32>,
      %swap3A_550 = arith.constant 14 : i32
      %swap3A_551 = arith.index_cast %swap3A_550 : i32 to index
      %swap3A_552 = arith.index_cast %mul3A_14 : i32 to index
      %swap3A_553 = tpu.vector_load %arg8[%swap3A_551, %swap3A_552] {strides = array<i32>} : memref<16x512xf32, #tpu.memory_space<vmem>>, vector<16xf32>,
      tpu.vector_store %arg8[%swap3A_551, %swap3A_552], %broadcast_in_dim3A_4 {strides = array<i32>} : memref<16x512xf32, #tpu.memory_space<vmem>>, vector<16xf32>,
      %swap3A_554 = arith.constant 14 : i32
      %swap3A_555 = arith.index_cast %swap3A_554 : i32 to index
      %swap3A_556 = arith.index_cast %mul3A_14 : i32 to index
      %swap3A_557 = tpu.vector_load %arg9[%swap3A_555, %swap3A_556] {strides = array<i32>} : memref<16x512xf32, #tpu.memory_space<vmem>>, vector<16xf32>,
      tpu.vector_store %arg9[%swap3A_555, %swap3A_556], %broadcast_in_dim3A_4 {strides = array<i32>} : memref<16x512xf32, #tpu.memory_space<vmem>>, vector<16xf32>,
      %swap3A_558 = arith.constant 15 : i32
      %swap3A_559 = arith.index_cast %swap3A_558 : i32 to index
      %swap3A_560 = arith.index_cast %mul3A_14 : i32 to index
      %swap3A_561 = tpu.vector_load %arg8[%swap3A_559, %swap3A_560] {strides = array<i32>} : memref<16x512xf32, #tpu.memory_space<vmem>>, vector<16xf32>,
      tpu.vector_store %arg8[%swap3A_559, %swap3A_560], %broadcast_in_dim3A_4 {strides = array<i32>} : memref<16x512xf32, #tpu.memory_space<vmem>>, vector<16xf32>,
      %swap3A_562 = arith.constant 15 : i32
      %swap3A_563 = arith.index_cast %swap3A_562 : i32 to index
      %swap3A_564 = arith.index_cast %mul3A_14 : i32 to index
      %swap3A_565 = tpu.vector_load %arg9[%swap3A_563, %swap3A_564] {strides = array<i32>} : memref<16x512xf32, #tpu.memory_space<vmem>>, vector<16xf32>,
      tpu.vector_store %arg9[%swap3A_563, %swap3A_564], %broadcast_in_dim3A_4 {strides = array<i32>} : memref<16x512xf32, #tpu.memory_space<vmem>>, vector<16xf32>,
      tpu.vector_store_idx %arg9[%select_n3A_431, %add3A_16], %broadcast_in_dim3A_6 : memref<16x512xf32, #tpu.memory_space<vmem>>[vector<16xi32>, vector<16xi32>], vector<16xf32>,
      tpu.vector_store_idx %arg9[%select_n3A_426, %add3A_16], %broadcast_in_dim3A_6 : memref<16x512xf32, #tpu.memory_space<vmem>>[vector<16xi32>, vector<16xi32>], vector<16xf32>,
      tpu.vector_store_idx %arg8[%select_n3A_431, %add3A_16], %div3A_437 : memref<16x512xf32, #tpu.memory_space<vmem>>[vector<16xi32>, vector<16xi32>], vector<16xf32>,
      tpu.vector_store_idx %arg8[%select_n3A_426, %add3A_16], %div3A_438 : memref<16x512xf32, #tpu.memory_space<vmem>>[vector<16xi32>, vector<16xi32>], vector<16xf32>,
    }
    %scan3A_11 = arith.constant 32 : i32
    "tpu.region"() ({
      %run_scoped3A = tpu.sem_alloc : memref<!tpu.dma_semaphore, #tpu.memory_space<semaphore_mem>>
      %dma_start3A = arith.constant 0 : i32
      %dma_start3A_12 = tpu.memref_slice %arg4[%dma_start3A, %mul3A_2] : memref<16x16384xf32, #tpu.memory_space<hbm>> -> memref<16x512xf32, #tpu.memory_space<hbm>>
      %dma_start3A_13 = arith.constant 0 : i32
      %dma_start3A_14 = tpu.memref_slice %arg4[%dma_start3A_13, %mul3A_2] : memref<16x16384xf32, #tpu.memory_space<hbm>> -> memref<16x512xf32, #tpu.memory_space<hbm>>
      tpu.enqueue_dma source(%arg8 : memref<16x512xf32, #tpu.memory_space<vmem>>) target(%dma_start3A_14 : memref<16x512xf32, #tpu.memory_space<hbm>>) target_semaphore(%run_scoped3A : memref<!tpu.dma_semaphore, #tpu.memory_space<semaphore_mem>>)
      %dma_wait3A = arith.constant 0 : i32
      %dma_wait3A_15 = tpu.memref_slice %arg4[%dma_wait3A, %mul3A_2] : memref<16x16384xf32, #tpu.memory_space<hbm>> -> memref<16x512xf32, #tpu.memory_space<hbm>>
      %dma_wait3A_16 = arith.constant 0 : i32
      %dma_wait3A_17 = tpu.memref_slice %arg4[%dma_wait3A_16, %mul3A_2] : memref<16x16384xf32, #tpu.memory_space<hbm>> -> memref<16x512xf32, #tpu.memory_space<hbm>>
      tpu.wait_dma2 semaphore(%run_scoped3A : memref<!tpu.dma_semaphore, #tpu.memory_space<semaphore_mem>>) src(%arg8 : memref<16x512xf32, #tpu.memory_space<vmem>>) dst(%dma_wait3A_17 : memref<16x512xf32, #tpu.memory_space<hbm>>)
      tpu.yield
    }) : () -> ()
    "tpu.region"() ({
      %run_scoped3A = tpu.sem_alloc : memref<!tpu.dma_semaphore, #tpu.memory_space<semaphore_mem>>
      %dma_start3A = arith.constant 0 : i32
      %dma_start3A_12 = tpu.memref_slice %arg5[%dma_start3A, %mul3A_2] : memref<16x16384xf32, #tpu.memory_space<hbm>> -> memref<16x512xf32, #tpu.memory_space<hbm>>
      %dma_start3A_13 = arith.constant 0 : i32
      %dma_start3A_14 = tpu.memref_slice %arg5[%dma_start3A_13, %mul3A_2] : memref<16x16384xf32, #tpu.memory_space<hbm>> -> memref<16x512xf32, #tpu.memory_space<hbm>>
      tpu.enqueue_dma source(%arg9 : memref<16x512xf32, #tpu.memory_space<vmem>>) target(%dma_start3A_14 : memref<16x512xf32, #tpu.memory_space<hbm>>) target_semaphore(%run_scoped3A : memref<!tpu.dma_semaphore, #tpu.memory_space<semaphore_mem>>)
      %dma_wait3A = arith.constant 0 : i32
      %dma_wait3A_15 = tpu.memref_slice %arg5[%dma_wait3A, %mul3A_2] : memref<16x16384xf32, #tpu.memory_space<hbm>> -> memref<16x512xf32, #tpu.memory_space<hbm>>
      %dma_wait3A_16 = arith.constant 0 : i32
      %dma_wait3A_17 = tpu.memref_slice %arg5[%dma_wait3A_16, %mul3A_2] : memref<16x16384xf32, #tpu.memory_space<hbm>> -> memref<16x512xf32, #tpu.memory_space<hbm>>
      tpu.wait_dma2 semaphore(%run_scoped3A : memref<!tpu.dma_semaphore, #tpu.memory_space<semaphore_mem>>) src(%arg9 : memref<16x512xf32, #tpu.memory_space<vmem>>) dst(%dma_wait3A_17 : memref<16x512xf32, #tpu.memory_space<hbm>>)
      tpu.yield
    }) : () -> ()
    return
  }
}

module attributes {stable_mosaic.version = 14 : i64} {
  func.func @_score_body(%arg0: i32, %arg1: memref<1024x2048xf32, #tpu.memory_space<vmem>>, %arg2: memref<16x2048xf32, #tpu.memory_space<vmem>>, %arg3: memref<16x1024xf32, #tpu.memory_space<vmem>>) attributes {dimension_semantics = [#tpu.dimension_semantics<arbitrary>], iteration_bounds = array<i64: 16>, scalar_prefetch = 0 : i64, scratch_operands = 0 : i64, tpu.core_type = #tpu.core_type<tc>, window_params = [{transform_indices = @transform_0, window_bounds = array<i64: 1024, 2048>}, {pipeline_mode = #tpu.pipeline_mode<synchronous>, transform_indices = @transform_1, window_bounds = array<i64: 16, 2048>}, {transform_indices = @transform_2, window_bounds = array<i64: 16, 1024>}]} {
    %get3A = arith.constant 0 : index
    %get3A_0 = arith.constant 0 : index
    %get3A_1 = vector.load %arg2[%get3A, %get3A_0] : memref<16x2048xf32, #tpu.memory_space<vmem>>, vector<16x2048xf32>
    %get3A_2 = arith.constant 0 : index
    %get3A_3 = arith.constant 0 : index
    %get3A_4 = vector.load %arg1[%get3A_2, %get3A_3] : memref<1024x2048xf32, #tpu.memory_space<vmem>>, vector<1024x2048xf32>
    %dot_general3A = arith.constant dense<0.000000e+00> : vector<16x1024xf32>
    %dot_general3A_5 = tpu.matmul %get3A_1, %get3A_4, %dot_general3A {dimension_numbers = #tpu.dot_dimension_numbers<[1], [1], [0], [0], [0, 0, 1, 0], [], []>, transpose_lhs_hint = false} : vector<16x2048xf32>, vector<1024x2048xf32>, vector<16x1024xf32> -> vector<16x1024xf32>
    %swap3A = arith.constant 0 : index
    %swap3A_6 = arith.constant 0 : index
    %swap3A_7 = vector.load %arg3[%swap3A, %swap3A_6] : memref<16x1024xf32, #tpu.memory_space<vmem>>, vector<16x1024xf32>
    tpu.vector_store %arg3[%swap3A, %swap3A_6], %dot_general3A_5 {strides = array<i32>} : memref<16x1024xf32, #tpu.memory_space<vmem>>, vector<16x1024xf32>,
    return
  }
  func.func @transform_0(%arg0: i32) -> (i32, i32) {
    %c0_i32 = arith.constant 0 : i32
    %c0_i32_0 = arith.constant 0 : i32
    return %arg0, %c0_i32 : i32, i32
  }
  func.func @transform_1(%arg0: i32) -> (i32, i32) {
    %c0_i32 = arith.constant 0 : i32
    %c0_i32_0 = arith.constant 0 : i32
    %c0_i32_1 = arith.constant 0 : i32
    return %c0_i32, %c0_i32_0 : i32, i32
  }
  func.func @transform_2(%arg0: i32) -> (i32, i32) {
    %c0_i32 = arith.constant 0 : i32
    %c0_i32_0 = arith.constant 0 : i32
    return %c0_i32, %arg0 : i32, i32
  }
}

</mosaic_0001>

<sc_bundles>
// kernel: kernel.4.cloned.1.call-start
scs
__scs_entry_jumppad:
0x0: {  	(pc) =	sbr.rel $0x88, $3  }
0x1: {  	(tag) =	ssettag $0x0;
	lr =	simm.s32 $0x1  }
0x2: {  	[smem:$0x3F9E] =	sst lr;
	_ =	strace $0xD0000000  }
0x3: {  	_ = 	snop  }
0x4: {  	_ = 	snop  }
0x5: {  	_ = 	snop  }
0x6: {  	_ = 	snop  }
0x7: {  	_ = 	snop  }
__scs_overlays_trampoline_lowered:
0x8: {  	[smem:$0x3FAD] =	sst s0  }
0x9: {  	[smem:$0x3FAE] =	sst s1  }
0xa: {  	[smem:$0x3FAF] =	sst s2  }
0xb: {  	[smem:$0x3FB0] =	sst s3  }
0xc: {  	[smem:$0x3FB1] =	sst s4  }
0xd: {  	[smem:$0x3FB2] =	sst s5  }
0xe: {  	[smem:$0x3FB3] =	sst s6  }
0xf: {  	[smem:$0x3FB4] =	sst s7  }
0x10: {  	[smem:$0x3FB5] =	sst s8  }
0x11: {  	[smem:$0x3FB6] =	sst s9;
	s0 =	simm.s32 @!p0 $0x0  }
0x12: {  	s1 =	sld [smem:$0x3F9C];
	s0 =	simm.s32 @p0 $0x1  }
0x13: {  	[smem:$0x3FB7] =	sst s0;
	s0 =	simm.s32 @!p1 $0x0  }
0x14: {  	s2 =	sld [smem:$0x3F9B];
	s0 =	simm.s32 @p1 $0x1  }
0x15: {  	[smem:$0x3FB8] =	sst s0;
	s0 =	simm.s32 @!p2 $0x0  }
0x16: {  	s3 =	sld [smem:$0x3FDB];
	s0 =	simm.s32 @p2 $0x1  }
0x17: {  	s4 =	simm.s32 $0x1BF5;
	[smem:$0x3FBA] =	sst s0  }
0x18: {  	s0 =	sld [smem:$0x3F9D];
	_ =	swait.ge [sflag:s4], $0x0  }
0x19: {  	s7 =	sld [smem:$0x3F9E]  }
0x1a: {  	s8 =	sadd.s32 $0xFFFFE003, lr  }
0x1b: {  	s9 =	sadd.s32 $0xFFFFFEF7, lr;
	s5 =	simm.s32 $0xFFFFFFFF;
	p2 =	slt.u32 s8, $0xFFFFF086  }
0x1c: {  	p1 =	slt.u32 s9, $0xF7A;
	s5 =	simm.s32 @!p2 $0x0  }
0x1d: {  	s5 =	simm.s32 @p1 $0x1;
	p0 =	seq.s32 s7, s2  }
0x1e: {  	s7 =	smul.u32 @!p0 $0xF7A, s2;
	p2 =	seq.s32 @!p0 s5, $0x0  }
0x1f: {  	s9 =	smul.u32 $0xF7A, s1;
	s8 =	simm.s32 @!p0 $0x1BF5;
	p2 =	por !p2, p0  }
0x20: {  	[sflag:s8] =	ssyncset.s32 @!p0 $0xFFFFF086;
	s6 =	sadd.s32 @!p0 s3, s7;
	s7 =	simm.s32 @!p0 $0x108  }
0x21: {  	s3 =	sadd.s32 s3, s9;
	s6 =	sadd.s32 @!p0 $0x88, s6;
	s7 =	simm.s32 @p2 $0x1082  }
0x22: {  	[simem:s7], [sflag:s8] =	dma.local @!p0 [hbm:s6], $0xF7A  }
0x23: {  	s9 =	sor.u32 $0xD0000000, s2;
	s6 =	simm.s32 $0x108;
	_ =	swait.ge @!p0 [sflag:s8], $0x0  }
0x24: {  	s3 =	sadd.s32 $0x88, s3;
	s6 =	simm.s32 @!p1 $0x1082;
	[sflag:s4] =	ssyncset.s32 $0xFFFFF086  }
0x25: {  	[simem:s6], [sflag:s4] =	dma.local [hbm:s3], $0xF7A  }
0x26: {  	[smem:$0x3F9E] =	sst s1;
	(tag) =	ssettag s2;
	_ =	strace s9  }
0x27: {  	s1 =	sld [smem:$0x3FAE]  }
0x28: {  	s2 =	sld [smem:$0x3FAF]  }
0x29: {  	s4 =	sld [smem:$0x3FB1]  }
0x2a: {  	p0 =	seq.s32 s5, $0x0;
	s5 =	sld [smem:$0x3FB2]  }
0x2b: {  	s6 =	sld [smem:$0x3FB3]  }
0x2c: {  	s7 =	sld [smem:$0x3FB4]  }
0x2d: {  	s3 =	simm.s32 $0x108;
	s8 =	sld [smem:$0x3FB5]  }
0x2e: {  	s3 =	simm.s32 @!p0 $0x1082;
	s9 =	sld [smem:$0x3FB6]  }
0x2f: {  	lr =	sadd.s32 s0, s3;
	s0 =	sld [smem:$0x3FAD]  }
0x30: {  	s3 =	sld [smem:$0x3FB0]  }
0x31: {  	[smem:$0x3FB9] =	sst s10  }
0x32: {  	s10 =	sld [smem:$0x3FB7];
	_ =	sdelay $0x3  }
0x33: {  	p0 =	seq.s32 s10, $0x1;
	s10 =	sld [smem:$0x3FB9];
	_ =	sdelay $0x3  }
0x34: {  	[smem:$0x3FB9] =	sst s10  }
0x35: {  	s10 =	sld [smem:$0x3FB8];
	_ =	sdelay $0x3  }
0x36: {  	p1 =	seq.s32 s10, $0x1;
	s10 =	sld [smem:$0x3FB9];
	_ =	sdelay $0x3  }
0x37: {  	[smem:$0x3FB9] =	sst s10  }
0x38: {  	s10 =	sld [smem:$0x3FBA]  }
0x39: {  	_ = 	snop;
	(pc) =	sbr.ind lr, $3  }
0x3a: {  	_ = 	snop  }
0x3b: {  	_ = 	snop  }
0x3c: {  	p2 =	seq.s32 s10, $0x1;
	s10 =	sld [smem:$0x3FB9]  }
0x3d: {  	_ =	shalt  }
0x3e: {  	_ =	shalt  }
0x3f: {  	_ =	shalt  }
0x40: {  	_ =	shalt  }
0x41: {  	_ =	shalt  }
0x42: {  	_ =	shalt  }
0x43: {  	_ =	shalt  }
0x44: {  	_ =	shalt  }
0x45: {  	_ =	shalt  }
0x46: {  	_ =	shalt  }
0x47: {  	_ =	shalt  }
0x48: {  	_ =	shalt  }
0x49: {  	_ =	shalt  }
0x4a: {  	_ =	shalt  }
0x4b: {  	_ =	shalt  }
0x4c: {  	_ =	shalt  }
0x4d: {  	_ =	shalt  }
0x4e: {  	_ =	shalt  }
0x4f: {  	_ =	shalt  }
0x50: {  	_ =	shalt  }
0x51: {  	_ =	shalt  }
0x52: {  	_ =	shalt  }
0x53: {  	_ =	shalt  }
0x54: {  	_ =	shalt  }
0x55: {  	_ =	shalt  }
0x56: {  	_ =	shalt  }
0x57: {  	_ =	shalt  }
0x58: {  	_ =	shalt  }
0x59: {  	_ =	shalt  }
0x5a: {  	_ =	shalt  }
0x5b: {  	_ =	shalt  }
0x5c: {  	_ =	shalt  }
0x5d: {  	_ =	shalt  }
0x5e: {  	_ =	shalt  }
0x5f: {  	_ =	shalt  }
0x60: {  	_ =	shalt  }
0x61: {  	_ =	shalt  }
0x62: {  	_ =	shalt  }
0x63: {  	_ =	shalt  }
0x64: {  	_ =	shalt  }
0x65: {  	_ =	shalt  }
0x66: {  	_ =	shalt  }
0x67: {  	_ =	shalt  }
0x68: {  	_ =	shalt  }
0x69: {  	_ =	shalt  }
0x6a: {  	_ =	shalt  }
0x6b: {  	_ =	shalt  }
0x6c: {  	_ =	shalt  }
0x6d: {  	_ =	shalt  }
0x6e: {  	_ =	shalt  }
0x6f: {  	_ =	shalt  }
0x70: {  	_ =	shalt  }
0x71: {  	_ =	shalt  }
0x72: {  	_ =	shalt  }
0x73: {  	_ =	shalt  }
0x74: {  	_ =	shalt  }
0x75: {  	_ =	shalt  }
0x76: {  	_ =	shalt  }
0x77: {  	_ =	shalt  }
0x78: {  	_ =	shalt  }
0x79: {  	_ =	shalt  }
0x7a: {  	_ =	shalt  }
0x7b: {  	_ =	shalt  }
0x7c: {  	_ =	shalt  }
0x7d: {  	_ =	shalt  }
0x7e: {  	_ =	shalt  }
0x7f: {  	_ =	shalt  }
0x80: {  	_ =	shalt  }
0x81: {  	_ =	shalt  }
0x82: {  	_ =	shalt  }
0x83: {  	_ =	shalt  }
0x84: {  	_ =	shalt  }
0x85: {  	_ =	shalt  }
0x86: {  	_ =	shalt  }
0x87: {  	_ =	shalt  }
.Lfunc_end0:
.L_simem_size_0:
called_computation_lowered:
.L_overlay_start_0:
0x88: {  	s2 =	sld [smem:$0x3FD9]  }
0x89: {  	s3 =	sld [smem:$0x3FFE];
	_ =	sdelay $0x1  }
0x8a: {  	s1 =	srdreg.scid  }
0x8b: {  	s0 =	sand.u32 $0x1, s1  }
0x8c: {  	s14 =	sshll.u32 s0, $0xA;
	s2 =	sadd.s32 s3, s2  }
0x8d: {  	s2 =	sadd.s32 s2, s14  }
0x8e: {  	[smem:$0x3FC5] =	sst s2  }
0x8f: {  	_ = 	snop  }
0x90: {  	s2 =	sld [smem:$0x3FD0];
	_ =	sdelay $0x2  }
0x91: {  	s4 =	simm.s32 $0xA;
	s5 =	simm.s32 $0x10;
	s15 =	sld [smem:$0x3FC7]  }
0x92: {  	[smem:s5], [sflag:s4] =	dma.local [hbm:s2], $0x1  }
0x93: {  	_ =	swait.eq [sflag:s4], $0x1  }
0x94: {  	[sflag:s4] =	ssyncset.done $0x0  }
0x95: {  	s16 =	sld [smem:$0x10];
	[sflag:s4] =	ssyncadd.s32 $0xFFFFFFFF  }
0x96: {  	s17 =	sld [smem:$0x11];
	(tm) =	ssettm $0x1  }
0x97: {  	s18 =	sld [smem:$0x3FFB];
	_ =	sdelay $0x3  }
0x98: {  	_ =	strace s18  }
0x99: {  	s5 =	sld [smem:$0x3FFC];
	_ =	sdelay $0x3  }
0x9a: {  	_ =	strace s5  }
0x9b: {  	s5 =	sld [smem:$0x3FFD];
	_ =	sdelay $0x3  }
0x9c: {  	_ =	strace s5  }
0x9d: {  	_ =	strace $0x8FFFFFFF  }
0x9e: {  	s19 =	sld [smem:$0x3FDB];
	_ =	sdelay $0x1  }
0x9f: {  	s6 =	simm.s32 $_scs_section_size  }
0xa0: {  	s7 =	simm.s32 $_size__tile_overlayer_lowered;
	s8 =	simm.s32 $_tile_overlayer_lowered  }
0xa1: {  	s22 =	simm.s32 $0x1BFF;
	s21 =	sshll.u32 s8, $0x1;
	s5 =	sadd.s32 s6, s19  }
0xa2: {  	s9 =	simm.s32 $0x0;
	s20 =	sshll.u32 s7, $0x1;
	s7 =	sadd.s32 s21, s5  }
0xa3: {  	[timem:s9], [sflag:s22] =	dma.local [hbm:s7], s20  }
0xa4: {  	_ =	swait.ge [sflag:s22], s20  }
0xa5: {  	s6 =	ssub.s32 $0x0, s20;
	[sflag:s22] =	ssyncset.done $0x0  }
0xa6: {  	[sflag:s22] =	ssyncadd.s32 s6;
	_ =	sdelay $0x1  }
0xa7: {  	s23 =	simm.s32 $0x1B8B  }
0xa8: {  	_ =	swait.ge [sflag:s23], $0x1  }
0xa9: {  	[sflag:s23] =	ssyncset.done $0x0  }
0xaa: {  	s25 =	simm.s32 $0x1B8E;
	s24 =	sld [smem:$0x3FFE];
	[sflag:s23] =	ssyncadd.s32 $0xFFFFFFFF  }
0xab: {  	s26 =	simm.s32 $execute0_lowered;
	[smem:$0x3FD2] =	sst s25  }
0xac: {  	s7 =	sshll.u32 s26, $0x1;
	_ =	strace $0x80000046;
	[dreg:$0x1] =	wrdreg $0xFFFFFFFF  }
0xad: {  	s28 =	simm.s32 $_size_execute0_lowered;
	s5 =	sadd.s32 s5, s7;
	[dreg:$0x0] =	wrdreg $0x0  }
0xae: {  	s7 =	sshll.u32 s28, $0x1;
	[dreg:$0x2] =	wrdreg s5  }
0xaf: {  	[dreg:$0x3] =	wrdreg s7  }
0xb0: {  	[dreg:$0x4] =	wrdreg $0xC0  }
0xb1: {  	_ =	task [dreg:s9], $0x5FFFF  }
0xb2: {  	[dreg:$0x1] =	wrdreg $0xFFFFFFFF  }
0xb3: {  	[dreg:$0x0] =	wrdreg $0x60  }
0xb4: {  	[dreg:$0x2] =	wrdreg s24  }
0xb5: {  	[dreg:$0x3] =	wrdreg s15  }
0xb6: {  	[dreg:$0x4] =	wrdreg s16  }
0xb7: {  	[dreg:$0x5] =	wrdreg s17  }
0xb8: {  	[dreg:$0x6] =	wrdreg $0x9  }
0xb9: {  	_ =	task.clear_ibuf [dreg:s9], $0x7FFFF;
	_ =	strace $0x90000046  }
0xba: {  	s29 =	simm.s32 $0x9;
	_ =	strace $0x80000048  }
0xbb: {  	_ =	swait.ge [sflag:s29], $0x1  }
0xbc: {  	[sflag:s29] =	ssyncadd.s32 $0xFFFFFFFF  }
0xbd: {  	_ =	strace $0x90000048  }
0xbe: {  	_ =	sfence  }
0xbf: {  	s30 =	sld [smem:$0x0];
	_ =	sdelay $0x2  }
0xc0: {  	s31 =	sshll.u32 s1, $0xD;
	s1 =	sshrl.u32 s1, $0x2  }
0xc1: {  	s3 =	sand.u32 $0x4000, s31;
	s1 =	sadd.s32 s1, s30  }
0xc2: {  	s0 =	sor.u32 s3, s0;
	s1 =	sshll.u32 s1, $0x11  }
0xc3: {  	s0 =	sor.u32 s1, s0  }
0xc4: {  	s0 =	sadd.s32 $0x8F2B, s0  }
0xc5: {  	[sflag:s0] =	ssyncadd.remote.s32 $0x1  }
0xc6: {  	_ =	sfence.sel $0xFFFF  }
0xc7: {  	[dreg:$0x0] =	wrdreg $0xFFFFFFFF;
	(pc) =	sbr.abs _section_cstart, $3  }
0xc8: {  	[dreg:$0x1] =	wrdreg $0xFFFFFFFF  }
0xc9: {  	_ =	task.clear_ibuf [dreg:s9], $0x2FFFF;
	_ =	strace $0x9FFFFFFF  }
0xca: {  	(tm) =	ssettm $0x7FFFFFFF  }
0xcb: {  	_ =	shalt  }
tec
execute0_lowered:
.L_overlay_start_1:
0x0: {  	(tag) =	ssettag $0x1  }
0x1: {  	s4 =	rddreg [dreg:$0x0]  }
0x2: {  	s1 =	rddreg [dreg:$0x1]  }
0x3: {  	s5 =	rddreg [dreg:$0x2]  }
0x4: {  	s6 =	rddreg [dreg:$0x3];
	s3 =	srdreg.scid  }
0x5: {  	s0 =	rddreg [dreg:$0x4];
	s2 =	stileid.u32;
	s10 =	simm.s32 $0x1  }
0x6: {  	s11 =	simm.s32 $0x2000;
	s12 =	simm.s32 $0x4080;
	s13 =	simm.s32 $0x2080  }
0x7: {  	s14 =	simm.s32 $0x0;
	s7 =	sand.u32 $0x1, s3;
	s3 =	simm.s32 $0x0  }
0x8: {  	s8 =	sshll.u32 s2, $0xA;
	s9 =	sshll.u32 s7, $0x9;
	[smem:$0x7FF] =	sst s3  }
0x9: {  	s7 =	ssub.s32 $0x2, s7;
	s8 =	sor.u32 s9, s8;
	_ =	strace $0x80000047  }
0xa: {  	s31 =	sshrl.u32 s7, $0x1;
	s9 =	simm.s32 $0x20000;
	s4 =	sadd.s32 s8, s4  }
0xb: {  	v0 =	vlaneseq.u32;
	s7 =	ssub.s32 s7, s31;
	s5 =	sadd.s32 s5, s8;
	s6 =	sadd.s32 s6, s8  }
0xc: {  	v1 =	vimm.f32 $0.0e+00;
	v2 =	vimm.s32 $0x0;
	v3 =	vimm.f32 $1.000000000e+00;
	s8 =	simm.s32 $0x1000;
	s4 =	sadd.s32 $0xC00, s4;
	s7 =	smax.u32 s7, $0x1  }
.LBB2_1:
0xd: {  	[tilespmem:s3], [sflag:$0x1] =	stream.strided.gather [hbm4b:s4+s8], $0x2000, s9, s8, $0x38;
	[tilespmem:$0x6080] =	vst v63  }
0xe: {  	_ =	swait.ge [sflag:s10], $0x2000  }
0xf: {  	[sflag:s10] =	ssyncset.done $0x0  }
0x10: {  	[sflag:s10] =	ssyncadd.s32 $0xFFFFE000  }
0x11: {  	[tilespmem:s11], [sflag:$0x1] =	stream.linear.gather [hbm4b:s1+s3], $0x80, $0x38;
	[tilespmem:$0x6080] =	vst v63  }
0x12: {  	_ =	swait.ge [sflag:s10], $0x80  }
0x13: {  	[sflag:s10] =	ssyncset.done $0x0  }
0x14: {  	[sflag:s10] =	ssyncadd.s32 $0xFFFFFF80  }
0x15: {  	s15 =	sand.u32 $0xC00, s3;
	s16 =	sand.u32 $0x70, s3;
	v18 =	vld [tilespmem:$0x2000]  }
0x16: {  	s15 =	sor.u32 s16, s15  }
0x17: {  	v4 =	vld [tilespmem:s15+$0x0];
	_ =	sdelay $0x1  }
0x18: {  	v5 =	vld [tilespmem:s15+$0x80]  }
0x19: {  	v15 =	vbroadcast v18, $0x0;
	_ =	sdelay $0x1  }
0x1a: {  	v11 =	vbroadcast v18, $0x1;
	v4 =	vadd.f32 v4, v15  }
0x1b: {  	v6 =	vld [tilespmem:s15+$0x100]  }
0x1c: {  	s31 =	sand.u32 $0xFFFFFC00, s3;
	v5 =	vadd.f32 v5, v11;
	v4 =	vmax.f32 v4, $0.0e+00  }
0x1d: {  	s19 =	sadd.s32 $0x0, s31;
	vm0 =	vgt.f32 v4, $-Inf  }
0x1e: {  	s16 =	sor.u32 $0x180, s19;
	v9 =	vbroadcast v18, $0x2;
	v5 =	vmax.f32 v5, $0.0e+00;
	v4 =	vnsel vm0, $0xFF800000, v4  }
0x1f: {  	v7 =	vld [tilespmem:s16+$0x0];
	vm9 =	vlt.f32 v5, $-Inf;
	vm2 =	vgt.f32 v5, $-Inf;
	vm1 =	vgt.f32 v5, v4  }
0x20: {  	v6 =	vadd.f32 v6, v9;
	vm0 =	vmor vm2, vm9;
	vm3 =	vmneg vm1  }
0x21: {  	v10 =	vbroadcast v18, $0x3;
	vm5 =	vmand vm0, vm3  }
0x22: {  	v6 =	vmax.f32 v6, $0.0e+00;
	v8 =	vsel vm3, v4, v5;
	v5 =	vnsel vm5, $0xFF800000, v5  }
0x23: {  	v13 =	vld [tilespmem:s15+$0x200];
	vm10 =	vgt.f32 v6, v8;
	v4 =	vsel vm3, v5, v4  }
0x24: {  	v5 =	vadd.f32 v7, v10;
	vm4 =	vmneg vm10;
	vm11 =	vgt.f32 v6, v4  }
0x25: {  	v12 =	vbroadcast v18, $0x4;
	vm13 =	vmand vm4, vm11  }
0x26: {  	v7 =	vsel vm4, v8, v6;
	v5 =	vmax.f32 v5, $0.0e+00;
	v4 =	vsel vm13, v6, v4  }
0x27: {  	v6 =	vld [tilespmem:s15+$0x280];
	vm12 =	vgt.f32 v5, v7;
	v4 =	vsel vm4, v4, v8  }
0x28: {  	v8 =	vadd.f32 v13, v12;
	vm9 =	vmneg vm12;
	vm14 =	vgt.f32 v5, v4  }
0x29: {  	v14 =	vbroadcast v18, $0x5;
	vm10 =	vmand vm9, vm14  }
0x2a: {  	v16 =	vsel vm9, v7, v5;
	v4 =	vsel vm10, v5, v4;
	v5 =	vmax.f32 v8, $0.0e+00  }
0x2b: {  	v8 =	vld [tilespmem:s15+$0x300];
	v4 =	vsel vm9, v4, v7;
	vm15 =	vgt.f32 v5, v16  }
0x2c: {  	v6 =	vadd.f32 v6, v14;
	vm7 =	vmneg vm15;
	vm6 =	vgt.f32 v5, v4  }
0x2d: {  	s18 =	sor.u32 s3, s3;
	v13 =	vbroadcast v18, $0x6;
	vm12 =	vmand vm7, vm6  }
0x2e: {  	s17 =	sor.u32 $0x380, s18;
	v6 =	vmax.f32 v6, $0.0e+00;
	v4 =	vsel vm12, v5, v4;
	v5 =	vsel vm7, v16, v5  }
0x2f: {  	v17 =	vld [tilespmem:s17+$0x0];
	v24 =	vsel vm1, $0x1, v2;
	v4 =	vsel vm7, v4, v16;
	vm8 =	vgt.f32 v6, v5  }
0x30: {  	v7 =	vadd.f32 v8, v13;
	vm3 =	vmneg vm8;
	vm11 =	vgt.f32 v6, v4  }
0x31: {  	v16 =	vbroadcast v18, $0x7;
	v8 =	vbroadcast v18, $0x8;
	vm11 =	vmand vm3, vm11  }
0x32: {  	v19 =	vmax.f32 v7, $0.0e+00;
	v20 =	vsel vm3, v5, v6;
	v4 =	vsel vm11, v6, v4  }
0x33: {  	v21 =	vld [tilespmem:s15+$0x1000];
	v7 =	vbroadcast v18, $0x9;
	vm14 =	vgt.f32 v19, v20;
	v4 =	vsel vm3, v4, v5  }
0x34: {  	v17 =	vadd.f32 v17, v16;
	vm2 =	vmneg vm14;
	vm15 =	vgt.f32 v19, v4  }
0x35: {  	v6 =	vbroadcast v18, $0xA;
	v5 =	vbroadcast v18, $0xB;
	vm8 =	vmand vm2, vm15  }
0x36: {  	v23 =	vld [tilespmem:s15+$0x1080];
	v17 =	vmax.f32 v17, $0.0e+00;
	v22 =	vsel vm2, v20, v19;
	v19 =	vsel vm8, v19, v4  }
0x37: {  	vm6 =	vgt.f32 v17, v22;
	v4 =	vbroadcast v18, $0xC;
	v19 =	vsel vm2, v19, v20  }
0x38: {  	vm0 =	vmneg vm6;
	v20 =	vadd.f32 v21, v8;
	vm6 =	vgt.f32 v17, v19  }
0x39: {  	v21 =	vsel vm5, $0x1, v2;
	v25 =	vsel vm0, v22, v17;
	vm6 =	vmand vm0, vm6  }
0x3a: {  	v20 =	vmax.f32 v20, $0.0e+00;
	v17 =	vsel vm6, v17, v19;
	v19 =	vsel vm13, $0x2, v21  }
0x3b: {  	v21 =	vld [tilespmem:s15+$0x1100];
	vm14 =	vgt.f32 v20, v25;
	v17 =	vsel vm0, v17, v22;
	v22 =	vadd.f32 v23, v7  }
0x3c: {  	vm1 =	vmneg vm14;
	v19 =	vsel vm4, v19, v24;
	vm15 =	vgt.f32 v20, v17  }
0x3d: {  	v23 =	vnsel vm4, $0x2, v24;
	v19 =	vsel vm10, $0x3, v19;
	vm5 =	vmand vm1, vm15  }
0x3e: {  	s19 =	sor.u32 $0x1180, s19;
	v22 =	vmax.f32 v22, $0.0e+00;
	v17 =	vsel vm5, v20, v17;
	v20 =	vsel vm1, v25, v20  }
0x3f: {  	v26 =	vld [tilespmem:s19+$0x0];
	v19 =	vsel vm9, v19, v23;
	v17 =	vsel vm1, v17, v25;
	vm13 =	vgt.f32 v22, v20  }
0x40: {  	v21 =	vadd.f32 v21, v6;
	vm4 =	vmneg vm13;
	vm14 =	vgt.f32 v22, v17  }
0x41: {  	v53 =	vnsel vm9, $0x3, v23;
	v19 =	vsel vm12, $0x4, v19;
	vm10 =	vmand vm4, vm14  }
0x42: {  	v21 =	vmax.f32 v21, $0.0e+00;
	v17 =	vsel vm10, v22, v17;
	v22 =	vsel vm4, v20, v22  }
0x43: {  	v23 =	vld [tilespmem:s15+$0x1200];
	v19 =	vsel vm7, v19, v53;
	v17 =	vsel vm4, v17, v20;
	vm15 =	vgt.f32 v21, v22  }
0x44: {  	v28 =	vld [tilespmem:s15+$0x1280];
	v20 =	vadd.f32 v26, v5;
	vm9 =	vmneg vm15;
	vm12 =	vgt.f32 v21, v17  }
0x45: {  	v54 =	vnsel vm7, $0x4, v53;
	v27 =	vsel vm11, $0x5, v19;
	vm12 =	vmand vm9, vm12  }
0x46: {  	v20 =	vmax.f32 v20, $0.0e+00;
	v17 =	vsel vm12, v21, v17;
	v21 =	vsel vm9, v22, v21  }
0x47: {  	v19 =	vbroadcast v18, $0xD;
	v17 =	vsel vm9, v17, v22;
	vm11 =	vgt.f32 v20, v21  }
0x48: {  	v22 =	vadd.f32 v23, v4;
	vm7 =	vmneg vm11;
	vm13 =	vgt.f32 v20, v17  }
0x49: {  	v57 =	vadd.f32 v28, v19;
	vm11 =	vmand vm7, vm13  }
0x4a: {  	v56 =	vsel vm7, v21, v20;
	v22 =	vmax.f32 v22, $0.0e+00;
	v17 =	vsel vm11, v20, v17  }
0x4b: {  	v55 =	vld [tilespmem:s15+$0x1300];
	v23 =	vsel vm3, v27, v54;
	vm14 =	vgt.f32 v22, v56;
	v21 =	vsel vm7, v17, v21  }
0x4c: {  	v20 =	vnsel vm3, $0x5, v54;
	vm3 =	vmneg vm14;
	vm13 =	vgt.f32 v22, v21  }
0x4d: {  	v26 =	vmax.f32 v57, $0.0e+00;
	v23 =	vsel vm8, $0x6, v23;
	vm13 =	vmand vm3, vm13  }
0x4e: {  	s18 =	sor.u32 $0x1380, s18;
	v17 =	vbroadcast v18, $0xE;
	v21 =	vsel vm13, v22, v21;
	v22 =	vsel vm3, v56, v22  }
0x4f: {  	v52 =	vld [tilespmem:s18+$0x0];
	v23 =	vsel vm2, v23, v20;
	v21 =	vsel vm3, v21, v56;
	vm15 =	vgt.f32 v26, v22  }
0x50: {  	v25 =	vadd.f32 v55, v17;
	vm8 =	vmneg vm15;
	vm14 =	vgt.f32 v26, v21  }
0x51: {  	v20 =	vnsel vm2, $0x6, v20;
	v18 =	vbroadcast v18, $0xF;
	vm14 =	vmand vm8, vm14  }
0x52: {  	v25 =	vmax.f32 v25, $0.0e+00;
	v21 =	vsel vm14, v26, v21;
	v26 =	vsel vm8, v22, v26  }
0x53: {  	v23 =	vsel vm6, $0x7, v23;
	v21 =	vsel vm8, v21, v22;
	vm6 =	vgt.f32 v25, v26  }
0x54: {  	[tilespmem:s15+$0x2180] =	vst v1;
	v22 =	vadd.f32 v52, v18;
	vm2 =	vmneg vm6;
	vm15 =	vgt.f32 v25, v21  }
0x55: {  	[tilespmem:s15+$0x4100] =	vst v1;
	v23 =	vsel vm0, v23, v20;
	v20 =	vnsel vm0, $0x7, v20;
	vm6 =	vmand vm2, vm15  }
0x56: {  	[tilespmem:s15+$0x2100] =	vst v1;
	v22 =	vmax.f32 v22, $0.0e+00;
	v58 =	vsel vm2, v26, v25;
	v21 =	vsel vm6, v25, v21  }
0x57: {  	[tilespmem:s15+$0x4180] =	vst v1;
	v23 =	vsel vm5, $0x8, v23;
	vm15 =	vgt.f32 v22, v58;
	v21 =	vsel vm2, v21, v26  }
0x58: {  	[tilespmem:s15+$0x2080] =	vst v1;
	v23 =	vsel vm1, v23, v20;
	vm0 =	vmneg vm15;
	vm15 =	vgt.f32 v22, v21  }
0x59: {  	[tilespmem:s15+$0x4080] =	vst v1;
	v20 =	vnsel vm1, $0x8, v20;
	v23 =	vsel vm10, $0x9, v23;
	vm5 =	vmand vm0, vm15  }
0x5a: {  	[tilespmem:s16+$0x2080] =	vst v1;
	v23 =	vsel vm4, v23, v20;
	v20 =	vnsel vm4, $0x9, v20;
	v21 =	vsel vm5, v22, v21  }
0x5b: {  	[tilespmem:s16+$0x4080] =	vst v1;
	v23 =	vsel vm12, $0xA, v23;
	v22 =	vsel vm0, v58, v22;
	v21 =	vsel vm0, v21, v58  }
0x5c: {  	[tilespmem:s15+$0x2280] =	vst v1;
	v21 =	vsub.f32 v21, v22;
	v22 =	vsel vm9, v23, v20  }
0x5d: {  	[tilespmem:s15+$0x4280] =	vst v1;
	v20 =	vnsel vm9, $0xA, v20;
	v22 =	vsel vm11, $0xB, v22  }
0x5e: {  	[tilespmem:s15+$0x4300] =	vst v1;
	v21 =	vmul.f32 $1.442695020e+00, v21;
	v22 =	vsel vm7, v22, v20  }
0x5f: {  	[tilespmem:s15+$0x2380] =	vst v1;
	v20 =	vnsel vm7, $0xB, v20;
	v22 =	vsel vm13, $0xC, v22  }
0x60: {  	[tilespmem:s15+$0x4380] =	vst v1;
	(erf) = vpow2.f32 v21;
	v21 =	vsel vm3, v22, v20  }
0x61: {  	[tilespmem:s15+$0x2300] =	vst v1;
	v20 =	vnsel vm3, $0xC, v20;
	v21 =	vsel vm14, $0xD, v21  }
0x62: {  	[tilespmem:s17+$0x2080] =	vst v1;
	v22 =	vnsel vm8, $0xD, v20;
	v20 =	vsel vm8, v21, v20  }
0x63: {  	[tilespmem:s17+$0x4080] =	vst v1;
	v20 =	vsel vm6, $0xE, v20  }
0x64: {  	[tilespmem:s15+$0x3080] =	vst v1;
	v20 =	vsel vm2, v20, v22  }
0x65: {  	[tilespmem:s15+$0x5080] =	vst v1;
	v21 =	vnsel vm2, $0xE, v22;
	v20 =	vsel vm5, $0xF, v20  }
0x66: {  	[tilespmem:s15+$0x3100] =	vst v1;
	v20 =	vsel vm0, v20, v21  }
0x67: {  	[tilespmem:s15+$0x5100] =	vst v1;
	v23 =	vnsel vm0, $0xF, v21;
	v60 =	vshll.u32 v20, $0x9;
	v20 =	vshll.u32 v20, $0x7  }
0x68: {  	[tilespmem:s15+$0x5180] =	vst v1;
	v59 =	vshll.u32 v23, $0x9;
	v21 =	vshll.u32 v23, $0x7  }
0x69: {  	[tilespmem:s15+$0x3180] =	vst v1;
	v23 =	vand.u32 $0x7FFFF000, v59;
	v21 =	vand.u32 $0x380, v21  }
0x6a: {  	[tilespmem:s19+$0x2080] =	vst v1;
	v22 =	vmov s3;
	v21 =	vor.u32 v23, v21;
	v23 =	vand.u32 $0x380, v20;
	v20 =	vpop (erf)  }
0x6b: {  	v61 =	vor.u32 s3, v0;
	[tilespmem:s19+$0x4080] =	vst v1;
	v22 =	vshll.u32 v22, $0x3;
	v63 =	vadd.f32 $1.000000000e+00, v20  }
0x6c: {  	[tilespmem:s15+$0x3280] =	vst v1;
	v62 =	vand.u32 $0xC00, v22;
	v22 =	vand.u32 $0x7F, v61;
	v24 =	vand.u32 $0x7FFFF000, v60  }
0x6d: {  	s23 =	simm.s32 $0x20;
	s17 =	simm.s32 $0x80;
	[tilespmem:s15+$0x5280] =	vst v1;
	v23 =	vor.u32 v24, v23;
	v21 =	vor.u32 v62, v21;
	(erf) = vrcp.f32 v63  }
0x6e: {  	s20 =	simm.s32 $0x100;
	s16 =	simm.s32 $0x10;
	s19 =	sand.u32 $0xC00, s17;
	[tilespmem:s15+$0x3300] =	vst v1;
	v23 =	vor.u32 v62, v23;
	v21 =	vor.u32 v22, v21  }
.LBB2_2:
0x6f: {  	s24 =	sand.u32 $0xC00, s20  }
0x70: {  	s25 =	sand.u32 $0x70, s16;
	[tilespmem:s15+$0x5300] =	vst v1;
	s22 =	smov.u32 s23;
	s21 =	sadd.s32 $0x10, s23  }
0x71: {  	p0 =	sne.s32 s23, $0x1F0;
	v22 =	vor.u32 v22, v23;
	s23 =	sor.u32 s25, s19;
	[tilespmem:s15+$0x3380] =	vst v1;
	s19 =	smov.u32 s24  }
0x72: {  	[tilespmem:s15+$0x5380] =	vst v1;
	s15 =	smov.u32 s23  }
0x73: {  	[tilespmem:s18+$0x2080] =	vst v1  }
0x74: {  	[tilespmem:s18+$0x4080] =	vst v1  }
0x75: {  	[tilespmem:v21+s12+$0x0] =	vst.idx.msk $0xffff, v3  }
0x76: {  	[tilespmem:v22+s12+$0x0] =	vst.idx.msk $0xffff, v3;
	v23 =	vpop (erf)  }
0x77: {  	s18 =	sand.u32 $0xFFFFFC00, s17;
	v20 =	vmul.f32 v23, v20;
	[tilespmem:v21+s13+$0x0] =	vst.idx.msk $0xffff, v23  }
0x78: {  	s23 =	sadd.s32 s18, s16  }
0x79: {  	s24 =	sor.u32 $0x180, s23;
	[tilespmem:v22+s13+$0x0] =	vst.idx.msk $0xffff, v20  }
0x7a: {  	v20 =	vld [tilespmem:s24+$0x0]  }
0x7b: {  	v21 =	vld [tilespmem:s15+$0x0];
	_ =	sdelay $0x1  }
0x7c: {  	v22 =	vld [tilespmem:s15+$0x80]  }
0x7d: {  	v23 =	vld [tilespmem:s15+$0x100]  }
0x7e: {  	v20 =	vadd.f32 v20, v10  }
0x7f: {  	v21 =	vadd.f32 v21, v15;
	_ =	sdelay $0x1  }
0x80: {  	v21 =	vmax.f32 v21, $0.0e+00;
	v22 =	vadd.f32 v22, v11  }
0x81: {  	vm0 =	vgt.f32 v21, $-Inf;
	v23 =	vadd.f32 v23, v9  }
0x82: {  	v21 =	vnsel vm0, $0xFF800000, v21;
	v22 =	vmax.f32 v22, $0.0e+00;
	v24 =	vld [tilespmem:s15+$0x200]  }
0x83: {  	vm0 =	vgt.f32 v22, v21;
	vm1 =	vlt.f32 v22, $-Inf;
	vm2 =	vgt.f32 v22, $-Inf  }
0x84: {  	vm3 =	vmneg vm0;
	vm1 =	vmor vm2, vm1;
	v25 =	vld [tilespmem:s15+$0x300]  }
0x85: {  	v23 =	vmax.f32 v23, $0.0e+00;
	vm1 =	vmand vm1, vm3;
	v26 =	vsel vm3, v21, v22;
	v27 =	vld [tilespmem:s15+$0x280]  }
0x86: {  	v20 =	vmax.f32 v20, $0.0e+00;
	v22 =	vnsel vm1, $0xFF800000, v22;
	vm2 =	vgt.f32 v23, v26  }
0x87: {  	s18 =	sor.u32 s16, s17;
	s17 =	smov.u32 s20;
	v28 =	vsel vm1, $0x1, v2;
	v21 =	vsel vm3, v22, v21;
	v22 =	vadd.f32 v24, v12  }
0x88: {  	s25 =	sor.u32 $0x380, s18;
	v24 =	vsel vm0, $0x1, v2;
	vm0 =	vmneg vm2;
	vm1 =	vgt.f32 v23, v21  }
0x89: {  	v29 =	vnsel vm0, $0x2, v24;
	v30 =	vsel vm0, v26, v23;
	vm1 =	vmand vm0, vm1;
	v31 =	vld [tilespmem:s25+$0x0]  }
0x8a: {  	vm2 =	vgt.f32 v20, v30;
	v21 =	vsel vm1, v23, v21;
	v23 =	vadd.f32 v27, v14  }
0x8b: {  	v25 =	vadd.f32 v25, v13;
	v27 =	vsel vm1, $0x2, v28;
	v21 =	vsel vm0, v21, v26  }
0x8c: {  	v24 =	vsel vm0, v27, v24;
	vm0 =	vmneg vm2;
	vm1 =	vgt.f32 v20, v21  }
0x8d: {  	v26 =	vnsel vm0, $0x3, v29;
	v27 =	vsel vm0, v30, v20;
	vm1 =	vmand vm0, vm1;
	v28 =	vld [tilespmem:s15+$0x1000]  }
0x8e: {  	v20 =	vsel vm1, v20, v21;
	v21 =	vmax.f32 v22, $0.0e+00;
	v22 =	vadd.f32 v31, v16  }
0x8f: {  	v24 =	vsel vm1, $0x3, v24;
	v20 =	vsel vm0, v20, v30;
	vm1 =	vgt.f32 v21, v27  }
0x90: {  	v24 =	vsel vm0, v24, v29;
	vm0 =	vmneg vm1;
	vm1 =	vgt.f32 v21, v20  }
0x91: {  	vm1 =	vmand vm0, vm1;
	v29 =	vnsel vm0, $0x4, v26;
	v30 =	vld [tilespmem:s15+$0x1080]  }
0x92: {  	v23 =	vmax.f32 v23, $0.0e+00;
	v20 =	vsel vm1, v21, v20;
	v21 =	vsel vm0, v27, v21  }
0x93: {  	v20 =	vsel vm0, v20, v27;
	vm2 =	vgt.f32 v23, v21;
	v27 =	vadd.f32 v28, v8  }
0x94: {  	v24 =	vsel vm1, $0x4, v24;
	vm1 =	vmneg vm2;
	vm2 =	vgt.f32 v23, v20  }
0x95: {  	v25 =	vmax.f32 v25, $0.0e+00;
	v24 =	vsel vm0, v24, v26;
	vm0 =	vmand vm1, vm2;
	v26 =	vld [tilespmem:s15+$0x1100]  }
0x96: {  	v24 =	vsel vm0, $0x5, v24;
	v20 =	vsel vm0, v23, v20;
	v23 =	vsel vm1, v21, v23  }
0x97: {  	s18 =	sor.u32 $0x1380, s18;
	v24 =	vsel vm1, v24, v29;
	v20 =	vsel vm1, v20, v21;
	vm0 =	vgt.f32 v25, v23  }
0x98: {  	s23 =	sor.u32 $0x1180, s23;
	v21 =	vadd.f32 v30, v7;
	vm0 =	vmneg vm0;
	vm2 =	vgt.f32 v25, v20;
	v28 =	vld [tilespmem:s18+$0x0]  }
0x99: {  	v22 =	vmax.f32 v22, $0.0e+00;
	vm2 =	vmand vm0, vm2;
	v30 =	vsel vm0, v23, v25;
	v31 =	vld [tilespmem:s23+$0x0]  }
0x9a: {  	v20 =	vsel vm2, v25, v20;
	vm3 =	vgt.f32 v22, v30;
	v25 =	vadd.f32 v26, v6  }
0x9b: {  	v26 =	vnsel vm1, $0x5, v29;
	v24 =	vsel vm2, $0x6, v24;
	v20 =	vsel vm0, v20, v23;
	[tilespmem:s15+$0x2180] =	vst v1  }
0x9c: {  	v23 =	vsel vm0, v24, v26;
	vm1 =	vmneg vm3;
	vm2 =	vgt.f32 v22, v20;
	[tilespmem:s15+$0x4100] =	vst v1  }
0x9d: {  	v27 =	vmax.f32 v27, $0.0e+00;
	v24 =	vsel vm1, v30, v22;
	vm2 =	vmand vm1, vm2;
	v29 =	vld [tilespmem:s15+$0x1200];
	[tilespmem:s15+$0x2100] =	vst v1  }
0x9e: {  	vm3 =	vgt.f32 v27, v24;
	v20 =	vsel vm2, v22, v20;
	v22 =	vadd.f32 v31, v5;
	[tilespmem:s15+$0x4180] =	vst v1  }
0x9f: {  	v26 =	vnsel vm0, $0x6, v26;
	v23 =	vsel vm2, $0x7, v23;
	v20 =	vsel vm1, v20, v30;
	v30 =	vld [tilespmem:s15+$0x1300];
	[tilespmem:s15+$0x2080] =	vst v1  }
0xa0: {  	v31 =	vnsel vm1, $0x7, v26;
	vm0 =	vmneg vm3;
	vm2 =	vgt.f32 v27, v20;
	v32 =	vld [tilespmem:s15+$0x1280];
	[tilespmem:s15+$0x4080] =	vst v1  }
0xa1: {  	v23 =	vsel vm1, v23, v26;
	v26 =	vnsel vm0, $0x8, v31;
	vm2 =	vmand vm0, vm2;
	[tilespmem:s24+$0x2080] =	vst v1  }
0xa2: {  	v21 =	vmax.f32 v21, $0.0e+00;
	v20 =	vsel vm2, v27, v20;
	v27 =	vsel vm0, v24, v27;
	[tilespmem:s24+$0x4080] =	vst v1  }
0xa3: {  	v20 =	vsel vm0, v20, v24;
	vm1 =	vgt.f32 v21, v27;
	v24 =	vadd.f32 v29, v4;
	[tilespmem:s15+$0x2280] =	vst v1  }
0xa4: {  	vm1 =	vmneg vm1;
	vm3 =	vgt.f32 v21, v20;
	v29 =	vadd.f32 v30, v17;
	[tilespmem:s15+$0x4280] =	vst v1  }
0xa5: {  	v23 =	vsel vm2, $0x8, v23;
	vm2 =	vmand vm1, vm3;
	v30 =	vadd.f32 v32, v19;
	[tilespmem:s15+$0x4300] =	vst v1  }
0xa6: {  	v25 =	vmax.f32 v25, $0.0e+00;
	v20 =	vsel vm2, v21, v20;
	v21 =	vsel vm1, v27, v21;
	[tilespmem:s15+$0x2380] =	vst v1  }
0xa7: {  	v23 =	vsel vm0, v23, v31;
	v20 =	vsel vm1, v20, v27;
	vm0 =	vgt.f32 v25, v21;
	[tilespmem:s15+$0x4380] =	vst v1  }
0xa8: {  	v27 =	vnsel vm1, $0x9, v26;
	vm0 =	vmneg vm0;
	vm3 =	vgt.f32 v25, v20;
	[tilespmem:s15+$0x2300] =	vst v1  }
0xa9: {  	v23 =	vsel vm2, $0x9, v23;
	vm2 =	vmand vm0, vm3;
	v31 =	vnsel vm0, $0xA, v27;
	[tilespmem:s25+$0x2080] =	vst v1  }
0xaa: {  	v22 =	vmax.f32 v22, $0.0e+00;
	v20 =	vsel vm2, v25, v20;
	v25 =	vsel vm0, v21, v25;
	[tilespmem:s25+$0x4080] =	vst v1  }
0xab: {  	v23 =	vsel vm1, v23, v26;
	v20 =	vsel vm0, v20, v21;
	vm1 =	vgt.f32 v22, v25;
	[tilespmem:s15+$0x3080] =	vst v1  }
0xac: {  	v21 =	vsel vm2, $0xA, v23;
	vm1 =	vmneg vm1;
	vm2 =	vgt.f32 v22, v20;
	[tilespmem:s15+$0x5080] =	vst v1  }
0xad: {  	v24 =	vmax.f32 v24, $0.0e+00;
	vm2 =	vmand vm1, vm2;
	v23 =	vsel vm1, v25, v22;
	[tilespmem:s15+$0x3100] =	vst v1  }
0xae: {  	v21 =	vsel vm0, v21, v27;
	v20 =	vsel vm2, v22, v20;
	vm0 =	vgt.f32 v24, v23;
	[tilespmem:s15+$0x5100] =	vst v1  }
0xaf: {  	v21 =	vsel vm2, $0xB, v21;
	v22 =	vadd.f32 v28, v18;
	v20 =	vsel vm1, v20, v25;
	[tilespmem:s15+$0x5180] =	vst v1  }
0xb0: {  	v25 =	vnsel vm1, $0xB, v31;
	vm0 =	vmneg vm0;
	vm2 =	vgt.f32 v24, v20  }
0xb1: {  	v21 =	vsel vm1, v21, v31;
	v26 =	vnsel vm0, $0xC, v25;
	vm1 =	vmand vm0, vm2  }
0xb2: {  	v27 =	vmax.f32 v30, $0.0e+00;
	v20 =	vsel vm1, v24, v20;
	v24 =	vsel vm0, v23, v24  }
0xb3: {  	v21 =	vsel vm1, $0xC, v21;
	v20 =	vsel vm0, v20, v23;
	vm1 =	vgt.f32 v27, v24  }
0xb4: {  	v21 =	vsel vm0, v21, v25;
	vm0 =	vmneg vm1;
	vm1 =	vgt.f32 v27, v20  }
0xb5: {  	v25 =	vmax.f32 v29, $0.0e+00;
	vm1 =	vmand vm0, vm1;
	v23 =	vnsel vm0, $0xD, v26  }
0xb6: {  	v21 =	vsel vm1, $0xD, v21;
	v20 =	vsel vm1, v27, v20;
	v27 =	vsel vm0, v24, v27  }
0xb7: {  	v21 =	vsel vm0, v21, v26;
	v20 =	vsel vm0, v20, v24;
	vm0 =	vgt.f32 v25, v27  }
0xb8: {  	vm0 =	vmneg vm0;
	vm1 =	vgt.f32 v25, v20  }
0xb9: {  	v22 =	vmax.f32 v22, $0.0e+00;
	vm1 =	vmand vm0, vm1  }
0xba: {  	v24 =	vsel vm0, v27, v25;
	v21 =	vsel vm1, $0xE, v21;
	v20 =	vsel vm1, v25, v20  }
0xbb: {  	vm1 =	vgt.f32 v22, v24;
	v21 =	vsel vm0, v21, v23;
	v20 =	vsel vm0, v20, v27  }
0xbc: {  	vm1 =	vmneg vm1;
	vm2 =	vgt.f32 v22, v20  }
0xbd: {  	v25 =	vmov s16;
	vm2 =	vmand vm1, vm2  }
0xbe: {  	v23 =	vnsel vm0, $0xE, v23;
	v21 =	vsel vm2, $0xF, v21;
	v20 =	vsel vm2, v22, v20  }
0xbf: {  	v22 =	vsel vm1, v24, v22;
	v20 =	vsel vm1, v20, v24;
	v24 =	vshll.u32 v25, $0x3  }
0xc0: {  	v25 =	vnsel vm1, $0xF, v23;
	v20 =	vsub.f32 v20, v22  }
0xc1: {  	v21 =	vsel vm1, v21, v23;
	v22 =	vshll.u32 v25, $0x9;
	v23 =	vshll.u32 v25, $0x7  }
0xc2: {  	v25 =	vshll.u32 v21, $0x9;
	v22 =	vand.u32 $0x7FFFF000, v22;
	v20 =	vmul.f32 $1.442695020e+00, v20  }
0xc3: {  	v21 =	vshll.u32 v21, $0x7;
	v23 =	vand.u32 $0x380, v23;
	v25 =	vand.u32 $0x7FFFF000, v25  }
0xc4: {  	v21 =	vand.u32 $0x380, v21;
	v23 =	vor.u32 v22, v23;
	(erf) = vpow2.f32 v20  }
0xc5: {  	v24 =	vand.u32 $0xC00, v24;
	v21 =	vor.u32 v25, v21;
	v20 =	vor.u32 s16, v0;
	s16 =	smov.u32 s22  }
0xc6: {  	v22 =	vand.u32 $0x7F, v20;
	v20 =	vor.u32 v24, v23;
	v23 =	vor.u32 v24, v21  }
0xc7: {  	v21 =	vor.u32 v22, v20;
	_ =	sdelay $0x5  }
0xc8: {  	[tilespmem:s15+$0x3180] =	vst v1;
	v20 =	vpop (erf)  }
.Ltmp0:
0xc9: {  	v24 =	vadd.f32 $1.000000000e+00, v20;
	[tilespmem:s23+$0x2080] =	vst v1;
	(pc) =	sbr.rel @p0 .LBB2_2-.Ltmp0, $4  }
0xca: {  	[tilespmem:s23+$0x4080] =	vst v1  }
0xcb: {  	[tilespmem:s15+$0x3280] =	vst v1;
	(erf) = vrcp.f32 v24  }
0xcc: {  	[tilespmem:s15+$0x5280] =	vst v1  }
0xcd: {  	s20 =	sadd.s32 $0x80, s20;
	s23 =	smov.u32 s21;
	[tilespmem:s15+$0x3300] =	vst v1  }
0xce: {  	_ = 	snop  }
0xcf: {  	[tilespmem:s15+$0x5300] =	vst v1  }
0xd0: {  	[tilespmem:s15+$0x3380] =	vst v1;
	v22 =	vor.u32 v22, v23  }
0xd1: {  	[tilespmem:s15+$0x5380] =	vst v1  }
0xd2: {  	[tilespmem:s18+$0x2080] =	vst v1  }
0xd3: {  	[tilespmem:s18+$0x4080] =	vst v1  }
0xd4: {  	[tilespmem:v21+s12+$0x0] =	vst.idx.msk $0xffff, v3;
	v57 =	vpop (erf)  }
0xd5: {  	[tilespmem:v22+s12+$0x0] =	vst.idx.msk $0xffff, v3;
	v20 =	vmul.f32 v57, v20  }
0xd6: {  	s29 =	sand.u32 $0x70, s16;
	[tilespmem:v21+s13+$0x0] =	vst.idx.msk $0xffff, v57  }
0xd7: {  	s15 =	sor.u32 s29, s19;
	[tilespmem:v22+s13+$0x0] =	vst.idx.msk $0xffff, v20  }
0xd8: {  	v20 =	vld [tilespmem:s15+$0x0];
	_ =	sdelay $0x1  }
0xd9: {  	v21 =	vld [tilespmem:s15+$0x80];
	_ =	sdelay $0x2  }
0xda: {  	v15 =	vadd.f32 v20, v15  }
0xdb: {  	v58 =	vld [tilespmem:s15+$0x100]  }
0xdc: {  	s30 =	sand.u32 $0xFFFFFC00, s17;
	v11 =	vadd.f32 v21, v11;
	v15 =	vmax.f32 v15, $0.0e+00  }
0xdd: {  	s31 =	sadd.s32 s30, s16;
	vm0 =	vgt.f32 v15, $-Inf  }
0xde: {  	s18 =	sor.u32 $0x180, s31;
	v11 =	vmax.f32 v11, $0.0e+00;
	v15 =	vnsel vm0, $0xFF800000, v15  }
0xdf: {  	v59 =	vld [tilespmem:s18+$0x0];
	vm4 =	vlt.f32 v11, $-Inf;
	vm1 =	vgt.f32 v11, $-Inf;
	vm15 =	vgt.f32 v11, v15  }
0xe0: {  	v9 =	vadd.f32 v58, v9;
	vm0 =	vmor vm1, vm4;
	vm2 =	vmneg vm15  }
0xe1: {  	vm9 =	vmand vm0, vm2  }
0xe2: {  	v9 =	vmax.f32 v9, $0.0e+00;
	v60 =	vsel vm2, v15, v11;
	v11 =	vnsel vm9, $0xFF800000, v11  }
0xe3: {  	v22 =	vld [tilespmem:s15+$0x200];
	vm5 =	vgt.f32 v9, v60;
	v11 =	vsel vm2, v11, v15  }
0xe4: {  	v10 =	vadd.f32 v59, v10;
	vm10 =	vmneg vm5;
	vm6 =	vgt.f32 v9, v11  }
0xe5: {  	vm6 =	vmand vm10, vm6  }
0xe6: {  	v10 =	vmax.f32 v10, $0.0e+00;
	v61 =	vsel vm10, v60, v9;
	v9 =	vsel vm6, v9, v11  }
0xe7: {  	v62 =	vld [tilespmem:s15+$0x280];
	vm7 =	vgt.f32 v10, v61;
	v9 =	vsel vm10, v9, v60  }
0xe8: {  	v12 =	vadd.f32 v22, v12;
	vm5 =	vmneg vm7;
	vm8 =	vgt.f32 v10, v9  }
0xe9: {  	vm8 =	vmand vm5, vm8  }
0xea: {  	v22 =	vmax.f32 v12, $0.0e+00;
	v63 =	vsel vm5, v61, v10;
	v9 =	vsel vm8, v10, v9  }
0xeb: {  	v23 =	vld [tilespmem:s15+$0x300];
	vm11 =	vgt.f32 v22, v63;
	v9 =	vsel vm5, v9, v61  }
0xec: {  	v11 =	vadd.f32 v62, v14;
	vm1 =	vmneg vm11;
	vm12 =	vgt.f32 v22, v9  }
0xed: {  	s20 =	sor.u32 s16, s17;
	vm14 =	vmand vm1, vm12  }
0xee: {  	s17 =	sor.u32 $0x380, s20;
	v11 =	vmax.f32 v11, $0.0e+00;
	v10 =	vsel vm1, v63, v22;
	v9 =	vsel vm14, v22, v9  }
0xef: {  	v24 =	vld [tilespmem:s17+$0x0];
	vm13 =	vgt.f32 v11, v10;
	v9 =	vsel vm1, v9, v63  }
0xf0: {  	v12 =	vadd.f32 v23, v13;
	vm2 =	vmneg vm13;
	vm4 =	vgt.f32 v11, v9  }
0xf1: {  	vm0 =	vmand vm2, vm4  }
0xf2: {  	v12 =	vmax.f32 v12, $0.0e+00;
	v9 =	vsel vm0, v11, v9;
	v11 =	vsel vm2, v10, v11  }
0xf3: {  	v25 =	vimm.s32 $0x0;
	v26 =	vld [tilespmem:s15+$0x1000];
	v9 =	vsel vm2, v9, v10;
	vm7 =	vgt.f32 v12, v11  }
0xf4: {  	v27 =	vadd.f32 v24, v16;
	vm12 =	vmneg vm7;
	vm3 =	vgt.f32 v12, v9  }
0xf5: {  	v13 =	vsel vm0, $0xFFFFFFFF, v25;
	vm0 =	vmand vm12, vm3  }
0xf6: {  	v29 =	vld [tilespmem:s15+$0x1080];
	v10 =	vmax.f32 v27, $0.0e+00;
	v28 =	vsel vm12, v11, v12;
	v9 =	vsel vm0, v12, v9  }
0xf7: {  	vm11 =	vgt.f32 v10, v28;
	v9 =	vsel vm12, v9, v11  }
0xf8: {  	v8 =	vadd.f32 v26, v8;
	vm3 =	vmneg vm11;
	vm4 =	vgt.f32 v10, v9  }
0xf9: {  	v30 =	vimm.s32 $0x0;
	vm4 =	vmand vm3, vm4  }
0xfa: {  	v32 =	vld [tilespmem:s15+$0x1100];
	v8 =	vmax.f32 v8, $0.0e+00;
	v31 =	vsel vm3, v28, v10;
	v9 =	vsel vm4, v10, v9  }
0xfb: {  	s19 =	sor.u32 $0x1180, s31;
	v7 =	vadd.f32 v29, v7;
	vm13 =	vgt.f32 v8, v31;
	v9 =	vsel vm3, v9, v28  }
0xfc: {  	v34 =	vld [tilespmem:s19+$0x0];
	v11 =	vsel vm4, $0xFFFFFFFF, v30;
	vm4 =	vmneg vm13;
	vm7 =	vgt.f32 v8, v9  }
0xfd: {  	v33 =	vimm.s32 $0x0;
	vm7 =	vmand vm4, vm7  }
0xfe: {  	v36 =	vld [tilespmem:s15+$0x1200];
	v7 =	vmax.f32 v7, $0.0e+00;
	v9 =	vsel vm7, v8, v9;
	v8 =	vsel vm4, v31, v8  }
0xff: {  	v6 =	vadd.f32 v32, v6;
	v9 =	vsel vm4, v9, v31;
	vm11 =	vgt.f32 v7, v8  }
0x100: {  	v39 =	vld [tilespmem:s15+$0x1280];
	v12 =	vsel vm7, $0xFFFFFFFF, v33;
	vm7 =	vmneg vm11;
	vm11 =	vgt.f32 v7, v9  }
0x101: {  	v35 =	vimm.s32 $0x0;
	v5 =	vadd.f32 v34, v5;
	vm11 =	vmand vm7, vm11  }
0x102: {  	v6 =	vmax.f32 v6, $0.0e+00;
	v9 =	vsel vm11, v7, v9;
	v7 =	vsel vm7, v8, v7  }
0x103: {  	v4 =	vadd.f32 v36, v4;
	v8 =	vsel vm7, v9, v8;
	vm13 =	vgt.f32 v6, v7  }
0x104: {  	v42 =	vld [tilespmem:s15+$0x1300];
	v10 =	vsel vm11, $0xFFFFFFFF, v35;
	vm13 =	vmneg vm13;
	vm11 =	vgt.f32 v6, v8  }
0x105: {  	v43 =	vadd.f32 v39, v19;
	v38 =	vsel vm15, $0x1, v2;
	vm15 =	vmand vm13, vm11  }
0x106: {  	v5 =	vmax.f32 v5, $0.0e+00;
	v8 =	vsel vm15, v6, v8;
	v6 =	vsel vm13, v7, v6  }
0x107: {  	v37 =	vsel vm9, $0x1, v2;
	v7 =	vsel vm13, v8, v7;
	vm11 =	vgt.f32 v5, v6  }
0x108: {  	v9 =	vsel vm6, $0x2, v37;
	vm6 =	vmneg vm11;
	vm9 =	vgt.f32 v5, v7  }
0x109: {  	v45 =	vadd.f32 v42, v17;
	v4 =	vmax.f32 v4, $0.0e+00;
	vm11 =	vmand vm6, vm9  }
0x10a: {  	[tilespmem:$0x1FFC0] =	vst v13;
	v40 =	vsel vm10, v9, v38;
	v7 =	vsel vm11, v5, v7;
	v5 =	vsel vm6, v6, v5  }
0x10b: {  	v46 =	vld [tilespmem:$0x1FFC0];
	v8 =	vsel vm8, $0x3, v40;
	v6 =	vsel vm6, v7, v6;
	vm8 =	vgt.f32 v4, v5  }
0x10c: {  	v41 =	vnsel vm10, $0x2, v38;
	vm8 =	vmneg vm8;
	vm9 =	vgt.f32 v4, v6  }
0x10d: {  	v9 =	vnsel vm5, $0x3, v41;
	v8 =	vsel vm5, v8, v41;
	vm10 =	vmand vm8, vm9  }
0x10e: {  	s20 =	sor.u32 $0x1380, s20;
	v7 =	vmax.f32 v43, $0.0e+00;
	v6 =	vsel vm10, v4, v6;
	v4 =	vsel vm8, v5, v4  }
0x10f: {  	v44 =	vld [tilespmem:s20+$0x0];
	v8 =	vsel vm14, $0x4, v8;
	v5 =	vsel vm8, v6, v5;
	vm14 =	vgt.f32 v7, v4  }
0x110: {  	vm5 =	vnez.u8 v46;
	vm14 =	vmneg vm14;
	vm9 =	vgt.f32 v7, v5  }
0x111: {  	v8 =	vsel vm1, v8, v9;
	v9 =	vnsel vm1, $0x4, v9;
	vm9 =	vmand vm14, vm9  }
0x112: {  	[tilespmem:s15+$0x2180] =	vst v1;
	v6 =	vmax.f32 v45, $0.0e+00;
	v5 =	vsel vm9, v7, v5;
	v7 =	vsel vm14, v4, v7  }
0x113: {  	[tilespmem:$0x1FFD0] =	vst v11;
	v8 =	vsel vm5, $0x5, v8;
	v4 =	vsel vm14, v5, v4;
	vm5 =	vgt.f32 v6, v7  }
0x114: {  	v49 =	vld [tilespmem:$0x1FFD0];
	[tilespmem:$0x1FFE0] =	vst v12;
	v5 =	vadd.f32 v44, v18;
	vm1 =	vmneg vm5;
	vm5 =	vgt.f32 v6, v4  }
0x115: {  	[tilespmem:s15+$0x4100] =	vst v1;
	v51 =	vld [tilespmem:$0x1FFE0];
	v8 =	vsel vm2, v8, v9;
	v9 =	vnsel vm2, $0x5, v9;
	vm5 =	vmand vm1, vm5  }
0x116: {  	[tilespmem:s15+$0x2100] =	vst v1;
	v5 =	vmax.f32 v5, $0.0e+00;
	v4 =	vsel vm5, v6, v4;
	v6 =	vsel vm1, v7, v6  }
0x117: {  	[tilespmem:$0x1FFF0] =	vst v10;
	v8 =	vsel vm0, $0x6, v8;
	v4 =	vsel vm1, v4, v7;
	vm2 =	vgt.f32 v5, v6  }
0x118: {  	[tilespmem:s15+$0x4180] =	vst v1;
	v53 =	vld [tilespmem:$0x1FFF0];
	v48 =	vnsel vm12, $0x6, v9;
	vm2 =	vmneg vm2;
	vm0 =	vgt.f32 v5, v4  }
0x119: {  	[tilespmem:s15+$0x2080] =	vst v1;
	v47 =	vsel vm12, v8, v9;
	vm12 =	vnez.u8 v49;
	vm0 =	vmand vm2, vm0  }
0x11a: {  	[tilespmem:s15+$0x4080] =	vst v1;
	v7 =	vsel vm12, $0x7, v47;
	vm12 =	vnez.u8 v51;
	v4 =	vsel vm0, v5, v4  }
0x11b: {  	[tilespmem:s18+$0x2080] =	vst v1;
	v7 =	vsel vm3, v7, v48;
	v5 =	vsel vm2, v6, v5;
	v4 =	vsel vm2, v4, v6  }
0x11c: {  	[tilespmem:s18+$0x4080] =	vst v1;
	v50 =	vnsel vm3, $0x7, v48;
	v7 =	vsel vm12, $0x8, v7;
	v4 =	vsub.f32 v4, v5  }
0x11d: {  	[tilespmem:s15+$0x2280] =	vst v1;
	vm12 =	vnez.u8 v53;
	v52 =	vsel vm4, v7, v50  }
0x11e: {  	[tilespmem:s15+$0x4280] =	vst v1;
	v6 =	vsel vm12, $0x9, v52;
	v5 =	vnsel vm4, $0x8, v50;
	v4 =	vmul.f32 $1.442695020e+00, v4  }
0x11f: {  	[tilespmem:s15+$0x4300] =	vst v1;
	v6 =	vsel vm7, v6, v5  }
0x120: {  	[tilespmem:s15+$0x2380] =	vst v1;
	v5 =	vnsel vm7, $0x9, v5;
	v6 =	vsel vm15, $0xA, v6;
	(erf) = vpow2.f32 v4  }
0x121: {  	[tilespmem:s15+$0x4380] =	vst v1;
	v6 =	vsel vm13, v6, v5  }
0x122: {  	[tilespmem:s15+$0x2300] =	vst v1;
	v4 =	vnsel vm13, $0xA, v5;
	v5 =	vsel vm11, $0xB, v6  }
0x123: {  	[tilespmem:s17+$0x2080] =	vst v1;
	v5 =	vsel vm6, v5, v4  }
0x124: {  	[tilespmem:s17+$0x4080] =	vst v1;
	v4 =	vnsel vm6, $0xB, v4;
	v5 =	vsel vm10, $0xC, v5  }
0x125: {  	[tilespmem:s15+$0x3080] =	vst v1;
	v5 =	vsel vm8, v5, v4  }
0x126: {  	[tilespmem:s15+$0x5080] =	vst v1;
	v4 =	vnsel vm8, $0xC, v4;
	v5 =	vsel vm9, $0xD, v5  }
0x127: {  	v54 =	vmov s16;
	[tilespmem:s15+$0x3100] =	vst v1;
	v5 =	vsel vm14, v5, v4  }
0x128: {  	[tilespmem:s15+$0x5100] =	vst v1;
	v61 =	vor.u32 s16, v0;
	v4 =	vnsel vm14, $0xD, v4;
	v5 =	vsel vm5, $0xE, v5  }
0x129: {  	[tilespmem:s15+$0x5180] =	vst v1;
	v6 =	vshll.u32 v54, $0x3;
	v5 =	vsel vm1, v5, v4;
	v4 =	vnsel vm1, $0xE, v4;
	v56 =	vpop (erf)  }
0x12a: {  	[tilespmem:s15+$0x3180] =	vst v1;
	v5 =	vsel vm0, $0xF, v5;
	v55 =	vnsel vm2, $0xF, v4;
	v58 =	vadd.f32 $1.000000000e+00, v56  }
0x12b: {  	[tilespmem:s19+$0x2080] =	vst v1;
	v6 =	vand.u32 $0xC00, v6;
	v57 =	vshll.u32 v55, $0x9;
	v4 =	vsel vm2, v5, v4  }
0x12c: {  	[tilespmem:s19+$0x4080] =	vst v1;
	v5 =	vshll.u32 v55, $0x7;
	v59 =	vand.u32 $0x7FFFF000, v57;
	(erf) = vrcp.f32 v58  }
0x12d: {  	[tilespmem:s15+$0x3280] =	vst v1;
	v60 =	vshll.u32 v4, $0x9;
	v5 =	vand.u32 $0x380, v5;
	v4 =	vshll.u32 v4, $0x7  }
0x12e: {  	[tilespmem:s15+$0x5280] =	vst v1;
	v9 =	vand.u32 $0x7FFFF000, v60;
	v5 =	vor.u32 v59, v5;
	v4 =	vand.u32 $0x380, v4  }
0x12f: {  	[tilespmem:s15+$0x3300] =	vst v1;
	v7 =	vand.u32 $0x7F, v61;
	v4 =	vor.u32 v9, v4;
	v5 =	vor.u32 v6, v5  }
0x130: {  	[tilespmem:s15+$0x5300] =	vst v1;
	v4 =	vor.u32 v6, v4;
	v5 =	vor.u32 v7, v5  }
0x131: {  	[tilespmem:s15+$0x3380] =	vst v1;
	v4 =	vor.u32 v7, v4  }
0x132: {  	[tilespmem:s15+$0x5380] =	vst v1  }
0x133: {  	[tilespmem:s20+$0x2080] =	vst v1  }
0x134: {  	[tilespmem:s20+$0x4080] =	vst v1  }
0x135: {  	[tilespmem:v5+s12+$0x0] =	vst.idx.msk $0xffff, v3;
	v62 =	vpop (erf)  }
0x136: {  	[tilespmem:v4+s12+$0x0] =	vst.idx.msk $0xffff, v3;
	v63 =	vmul.f32 v62, v56  }
0x137: {  	[tilespmem:v5+s13+$0x0] =	vst.idx.msk $0xffff, v62  }
0x138: {  	[tilespmem:v4+s13+$0x0] =	vst.idx.msk $0xffff, v63  }
0x139: {  	[hbm4b:s5+s8] =	stream.strided.scatter [tilespmem:s13], [sflag:$0x1], $0x2000, s9, s8, $0x38;
	[tilespmem:$0x6080] =	vst v63  }
0x13a: {  	s14 =	sadd.s32 $0x1, s14;
	_ =	swait.ge [sflag:s10], $0x2000  }
0x13b: {  	p0 =	sne.s32 s14, s7;
	[sflag:s10] =	ssyncset.done $0x0  }
.Ltmp1:
0x13c: {  	[sflag:s10] =	ssyncadd.s32 $0xFFFFE000;
	(pc) =	sbr.rel @p0 .LBB2_1-.Ltmp1, $4  }
0x13d: {  	[hbm4b:s6+s8] =	stream.strided.scatter [tilespmem:s12], [sflag:$0x1], $0x2000, s9, s8, $0x38;
	[tilespmem:$0x6080] =	vst v63  }
0x13e: {  	_ =	swait.ge [sflag:s10], $0x2000  }
0x13f: {  	[sflag:s10] =	ssyncset.done $0x0  }
0x140: {  	[sflag:s10] =	ssyncadd.s32 $0xFFFFE000  }
0x141: {  	_ =	sfence.sel $0x180000  }
0x142: {  	[bflag:$0x0] =	sbarrier.arrive $0xFFFF  }
0x143: {  	p0 =	sne.s32 s2, $0x0;
	_ =	strace $0x90000047  }
0x144: {  	s0 =	sadd.s32 @!p0 $0x100000, s0;
	[bflag:$0x2] =	sbarrier.arrive $0xFFFF  }
0x145: {  	[sflag:s0] =	ssyncadd.tile.s32 @!p0 $0x1;
	_ =	shalt  }
.Lfunc_end2:
_tile_overlayer_lowered:
.L_overlay_start_2:
0x146: {  	(tag) =	ssettag $0x2  }
0x147: {  	s0 =	rddreg [dreg:$0x0];
	s2 =	stileid.u32  }
0x148: {  	s1 =	rddreg [dreg:$0x1];
	p0 =	sne.s32 s2, $0x0  }
0x149: {  	s3 =	rddreg [dreg:$0x2];
	[bflag:$0x3] =	sbarrier.arrive $0xFFFF;
	s2 =	simm.s32 @!p0 $0x1C01  }
0x14a: {  	[timem:s3], [sflag:s2] =	dma.local @!p0 [hbm:s0], s1  }
0x14b: {  	s0 =	simm.s32 @!p0 $0x1  }
0x14c: {  	_ =	swait.ge @!p0 [sflag:s0], s1  }
0x14d: {  	s1 =	ssub.s32 @!p0 $0x0, s1;
	[sflag:s0] =	ssyncset.done @!p0 $0x0  }
0x14e: {  	[sflag:s0] =	ssyncadd.s32 @!p0 s1  }
0x14f: {  	[bflag:$0x3] =	sbarrier.arrive $0xFFFF  }
0x150: {  	_ =	shalt  }

</sc_bundles>
